<compile_context>
chip_gen: v7x
topology: tpu7x:2x2x1
jax: 0.10.2.dev20260603
libtpu: 0.0.44.dev20260713+nightly
codegen_flags: <defaults>
</compile_context>

<pallas_src>
import functools

import jax
import jax.numpy as jnp
from jax import lax
from jax.experimental import pallas as pl
from jax.experimental.pallas import tpu as pltpu
from jax.experimental.pallas import tpu_sc as plsc

N_TOK = 2048
N_EMB = 1024
N_EXP = 64
D_EXP = 64
TILE = 64
NPAD = N_TOK + N_EXP * 8 + TILE


def _route_kernel(x_ref, wr_ref, pos_ref, off_ref):
    xf = x_ref[...]
    wr = wr_ref[...]
    lg = lax.dot_general(
        wr, xf, (((1,), (1,)), ((), ())),
        preferred_element_type=jnp.float32)
    rowi = lax.broadcasted_iota(jnp.int32, (N_EXP, N_TOK), 0)
    maxv = jnp.max(lg, axis=0, keepdims=True)
    eid = jnp.min(jnp.where(lg == maxv, rowi, N_EXP), axis=0, keepdims=True)
    onehot = (rowi == eid).astype(jnp.float32)
    c = onehot
    d = 1
    while d < N_TOK:
        c = c + jnp.concatenate(
            [jnp.zeros((N_EXP, d), jnp.float32), c[:, : N_TOK - d]], axis=1)
        d *= 2
    rank = jnp.sum(c * onehot, axis=0, keepdims=True) - 1.0
    counts = c[:, N_TOK - 1 : N_TOK]
    pcnt = jnp.ceil(counts / 8.0) * 8.0
    ri = lax.broadcasted_iota(jnp.int32, (N_EXP, N_EXP), 0)
    ci = lax.broadcasted_iota(jnp.int32, (N_EXP, N_EXP), 1)
    tril = (ci < ri).astype(jnp.float32)
    pstart = lax.dot_general(
        tril, pcnt, (((1,), (0,)), ((), ())),
        preferred_element_type=jnp.float32)
    startn = jnp.sum(onehot * pstart, axis=0, keepdims=True)
    pos_ref[...] = (startn + rank).astype(jnp.int32)
    off_ref[...] = jnp.concatenate([pstart, counts], axis=1).astype(jnp.int32)


def _route(x_flat, wr):
    pos2d, offcnt = pl.pallas_call(
        _route_kernel,
        out_shape=(
            jax.ShapeDtypeStruct((1, N_TOK), jnp.int32),
            jax.ShapeDtypeStruct((N_EXP, 2), jnp.int32),
        ),
    )(x_flat, wr)
    return pos2d.reshape(N_TOK), offcnt.reshape(2 * N_EXP)


def _sc_mesh():
    info = plsc.get_sparse_core_info()
    return (
        plsc.VectorSubcoreMesh(core_axis_name="c", subcore_axis_name="s"),
        info.num_cores,
        info.num_cores * info.num_subcores,
    )


def _sc_scatter(x_flat, pos):
    mesh, nc, nw = _sc_mesh()
    bpw = N_TOK // nw

    @functools.partial(
        pl.kernel,
        out_type=jax.ShapeDtypeStruct((NPAD, N_EMB), jnp.float32),
        mesh=mesh,
        scratch_types=[
            pltpu.VMEM((bpw,), jnp.int32),
            pltpu.VMEM((bpw, N_EMB), jnp.float32),
            pltpu.SemaphoreType.DMA,
        ],
    )
    def k(x_hbm, idx_hbm, out_hbm, idx_v, rows_v, sem):
        wid = lax.axis_index("s") * nc + lax.axis_index("c")
        base = wid * bpw
        pltpu.sync_copy(idx_hbm.at[pl.ds(base, bpw)], idx_v)
        pltpu.sync_copy(x_hbm.at[pl.ds(base, bpw)], rows_v)
        pltpu.async_copy(rows_v, out_hbm.at[idx_v], sem).wait()

    return k(x_flat, pos)


def _sc_gather(table, pos):
    mesh, nc, nw = _sc_mesh()
    bpw = N_TOK // nw

    @functools.partial(
        pl.kernel,
        out_type=jax.ShapeDtypeStruct((N_TOK, N_EMB), jnp.float32),
        mesh=mesh,
        scratch_types=[
            pltpu.VMEM((bpw,), jnp.int32),
            pltpu.VMEM((bpw, N_EMB), jnp.float32),
            pltpu.SemaphoreType.DMA,
        ],
    )
    def k(table_hbm, idx_hbm, out_hbm, idx_v, rows_v, sem):
        wid = lax.axis_index("s") * nc + lax.axis_index("c")
        base = wid * bpw
        pltpu.sync_copy(idx_hbm.at[pl.ds(base, bpw)], idx_v)
        pltpu.async_copy(table_hbm.at[idx_v], rows_v, sem).wait()
        pltpu.sync_copy(rows_v, out_hbm.at[pl.ds(base, bpw)])

    return k(table, pos)


GEXP = 8


def _mm_kernel(off_ref, xs_ref, w1a_ref, w1b_ref, w2_ref, out_ref):
    g = pl.program_id(0)

    for j in range(GEXP):
        e = g * GEXP + j
        start = off_ref[2 * e]
        cnt = off_ref[2 * e + 1]
        w1a = w1a_ref[j]
        w1b = w1b_ref[j]
        w2 = w2_ref[j]
        nt = (cnt + TILE - 1) // TILE

        def body(t, carry, w1a=w1a, w1b=w1b, w2=w2, start=start):
            base = pl.multiple_of(start + t * TILE, 8)
            xt = xs_ref[pl.ds(base, TILE), :]
            h = (jnp.dot(xt[:, : N_EMB // 2], w1a,
                         preferred_element_type=jnp.float32)
                 + jnp.dot(xt[:, N_EMB // 2 :], w1b,
                           preferred_element_type=jnp.float32))
            h = jnp.maximum(h, 0.0)
            out_ref[pl.ds(base, TILE), :] = jnp.dot(
                h * h, w2, preferred_element_type=jnp.float32)
            return carry

        body(0, 0)
        lax.fori_loop(1, nt, body, 0)


def _grouped_mm(x_sorted, w1, w2, offcnt):
    grid_spec = pltpu.PrefetchScalarGridSpec(
        num_scalar_prefetch=1,
        grid=(N_EXP // GEXP,),
        in_specs=[
            pl.BlockSpec((NPAD, N_EMB), lambda e, off: (0, 0)),
            pl.BlockSpec((GEXP, N_EMB // 2, D_EXP), lambda e, off: (e, 0, 0)),
            pl.BlockSpec((GEXP, N_EMB // 2, D_EXP), lambda e, off: (e, 1, 0)),
            pl.BlockSpec((GEXP, D_EXP, N_EMB), lambda e, off: (e, 0, 0)),
        ],
        out_specs=pl.BlockSpec((NPAD, N_EMB), lambda e, off: (0, 0)),
    )
    return pl.pallas_call(
        _mm_kernel,
        grid_spec=grid_spec,
        out_shape=jax.ShapeDtypeStruct((NPAD, N_EMB), jnp.float32),
    )(offcnt, x_sorted, w1, w1, w2)


def kernel(x, Wr, W1, W2):
    b, t, c = x.shape
    x_flat = x.reshape(b * t, c)
    pos, offcnt = _route(x_flat, Wr)
    x_sorted = _sc_scatter(x_flat, pos)
    out_sorted = _grouped_mm(x_sorted, W1, W2, offcnt)
    out_flat = _sc_gather(out_sorted, pos)
    return out_flat.reshape(b, t, c)

# --- scband reference (transcript-rebuilt; emitter-appended) ---
"""Pipeline reference for scband-efficient-mo-e-31920196944054 (READ-ONLY COPY).

The authoritative reference and input builder live on the scoring server;
editing this copy changes nothing except your own understanding.
"""

import jax, jax.numpy as jnp
import numpy as np

NUM_EXPERTS = 64
TOP_K = 1
N_EMBD = 1024
D_EXPERT = 4 * N_EMBD * TOP_K // NUM_EXPERTS  # = 64


def setup_inputs(seed: int = 0) -> dict:
    key = jax.random.key(seed)
    k1, k2, k3, k4 = jax.random.split(key, 4)
    x = jax.random.normal(k1, (1, 2048, N_EMBD), dtype=jnp.float32)
    # router weight (torch nn.Linear weight shape [num_experts, n_embd])
    Wr = jax.random.normal(k2, (NUM_EXPERTS, N_EMBD), dtype=jnp.float32) * 0.02
    # stacked expert weights, already transposed like the torch code does:
    # w1_all[e] = c_fc.weight.T  -> [n_embd, d_expert]
    W1 = jax.random.normal(k3, (NUM_EXPERTS, N_EMBD, D_EXPERT), dtype=jnp.float32) * 0.02
    # w2_all[e] = c_proj.weight.T -> [d_expert, n_embd]
    W2 = jax.random.normal(k4, (NUM_EXPERTS, D_EXPERT, N_EMBD), dtype=jnp.float32) * 0.02
    return {"x": x, "Wr": Wr, "W1": W1, "W2": W2}


def reference(x, Wr, W1, W2):
    B, T, C = x.shape
    x_flat = x.reshape(-1, C)  # [N, C]
    N = x_flat.shape[0]
    # router
    router_logits = x_flat @ Wr.T  # [N, E]
    top_k_logits, top_k_indices = jax.lax.top_k(router_logits, TOP_K)  # [N, k]
    router_probs = jax.nn.softmax(top_k_logits, axis=-1)  # [N, k]
    # gather per-token expert weights (memory-bound gather of full matrices)
    w1_selected = W1[top_k_indices]  # [N, k, C, D]
    w2_selected = W2[top_k_indices]  # [N, k, D, C]
    x_expanded = jnp.broadcast_to(x_flat[:, None, None, :], (N, TOP_K, 1, C))  # [N, k, 1, C]
    hidden = jnp.matmul(x_expanded, w1_selected)  # [N, k, 1, D]
    hidden = jnp.square(jax.nn.relu(hidden))
    expert_outputs = jnp.matmul(hidden, w2_selected)[:, :, 0, :]  # [N, k, C]
    output = (expert_outputs * router_probs[..., None]).sum(axis=1)  # [N, C]
    return output.reshape(B, T, C)

if __name__ == "__main__":
    import jax
    _d = setup_inputs()
    print(jax.jit(kernel)(*tuple(_d.values())))

</pallas_src>

<mosaic_0001>
#map = affine_map<(d0, d1) -> (0, 0)>
#map1 = affine_map<(d0, d1) -> (0)>
module attributes {stable_mosaic.version = 14 : i64} {
  func.func @k(%arg0: i32, %arg1: i32, %arg2: memref<2048x1024xf32, #tpu.memory_space<hbm>>, %arg3: memref<2048xi32, #tpu.memory_space<hbm>>, %arg4: memref<2624x1024xf32, #tpu.memory_space<hbm>>, %arg5: memref<64xi32, #tpu.memory_space<vmem>>, %arg6: memref<64x1024xf32, #tpu.memory_space<vmem>>, %arg7: memref<!tpu.dma_semaphore, #tpu.memory_space<semaphore_mem>>) attributes {dimension_semantics = [#tpu.dimension_semantics<core_parallel>, #tpu.dimension_semantics<subcore_parallel>], iteration_bounds = array<i64: 2, 16>, scalar_prefetch = 0 : i64, scratch_operands = 3 : i64, tpu.core_type = #tpu.core_type<sc_vector_subcore>, window_params = [{transform_indices = #map}, {transform_indices = #map1}, {transform_indices = #map}]} {
    %mul3A = arith.constant 2 : i32
    %mul3A_0 = arith.muli %arg1, %mul3A : i32
    %add3A = arith.addi %mul3A_0, %arg0 : i32
    %mul3A_1 = arith.constant 64 : i32
    %mul3A_2 = arith.muli %add3A, %mul3A_1 : i32
    "tpu.region"() ({
      %run_scoped3A = tpu.sem_alloc : memref<!tpu.dma_semaphore, #tpu.memory_space<semaphore_mem>>
      %dma_start3A_7 = tpu.memref_slice %arg3[%mul3A_2] : memref<2048xi32, #tpu.memory_space<hbm>> -> memref<64xi32, #tpu.memory_space<hbm>>
      %dma_start3A_8 = tpu.memref_slice %arg3[%mul3A_2] : memref<2048xi32, #tpu.memory_space<hbm>> -> memref<64xi32, #tpu.memory_space<hbm>>
      tpu.enqueue_dma source(%dma_start3A_8 : memref<64xi32, #tpu.memory_space<hbm>>) target(%arg5 : memref<64xi32, #tpu.memory_space<vmem>>) target_semaphore(%run_scoped3A : memref<!tpu.dma_semaphore, #tpu.memory_space<semaphore_mem>>)
      %dma_wait3A_9 = tpu.memref_slice %arg3[%mul3A_2] : memref<2048xi32, #tpu.memory_space<hbm>> -> memref<64xi32, #tpu.memory_space<hbm>>
      %dma_wait3A_10 = tpu.memref_slice %arg3[%mul3A_2] : memref<2048xi32, #tpu.memory_space<hbm>> -> memref<64xi32, #tpu.memory_space<hbm>>
      tpu.wait_dma2 semaphore(%run_scoped3A : memref<!tpu.dma_semaphore, #tpu.memory_space<semaphore_mem>>) src(%dma_wait3A_10 : memref<64xi32, #tpu.memory_space<hbm>>) dst(%arg5 : memref<64xi32, #tpu.memory_space<vmem>>)
      tpu.yield
    }) : () -> ()
    "tpu.region"() ({
      %run_scoped3A = tpu.sem_alloc : memref<!tpu.dma_semaphore, #tpu.memory_space<semaphore_mem>>
      %dma_start3A_7 = arith.constant 0 : i32
      %dma_start3A_8 = tpu.memref_slice %arg2[%mul3A_2, %dma_start3A_7] : memref<2048x1024xf32, #tpu.memory_space<hbm>> -> memref<64x1024xf32, #tpu.memory_space<hbm>>
      %dma_start3A_9 = arith.constant 0 : i32
      %dma_start3A_10 = tpu.memref_slice %arg2[%mul3A_2, %dma_start3A_9] : memref<2048x1024xf32, #tpu.memory_space<hbm>> -> memref<64x1024xf32, #tpu.memory_space<hbm>>
      tpu.enqueue_dma source(%dma_start3A_10 : memref<64x1024xf32, #tpu.memory_space<hbm>>) target(%arg6 : memref<64x1024xf32, #tpu.memory_space<vmem>>) target_semaphore(%run_scoped3A : memref<!tpu.dma_semaphore, #tpu.memory_space<semaphore_mem>>)
      %dma_wait3A_11 = arith.constant 0 : i32
      %dma_wait3A_12 = tpu.memref_slice %arg2[%mul3A_2, %dma_wait3A_11] : memref<2048x1024xf32, #tpu.memory_space<hbm>> -> memref<64x1024xf32, #tpu.memory_space<hbm>>
      %dma_wait3A_13 = arith.constant 0 : i32
      %dma_wait3A_14 = tpu.memref_slice %arg2[%mul3A_2, %dma_wait3A_13] : memref<2048x1024xf32, #tpu.memory_space<hbm>> -> memref<64x1024xf32, #tpu.memory_space<hbm>>
      tpu.wait_dma2 semaphore(%run_scoped3A : memref<!tpu.dma_semaphore, #tpu.memory_space<semaphore_mem>>) src(%dma_wait3A_14 : memref<64x1024xf32, #tpu.memory_space<hbm>>) dst(%arg6 : memref<64x1024xf32, #tpu.memory_space<vmem>>)
      tpu.yield
    }) : () -> ()
    %dma_start3A = arith.constant 0 : i32
    %dma_start3A_3 = arith.constant 0 : i32
    %dma_start3A_4 = tpu.memref_slice %arg4[%dma_start3A, %dma_start3A_3] : memref<2624x1024xf32, #tpu.memory_space<hbm>> -> memref<2624x1024xf32, #tpu.memory_space<hbm>>
    tpu.enqueue_indirect_dma source(%arg6 : memref<64x1024xf32, #tpu.memory_space<vmem>>) target(%dma_start3A_4 : memref<2624x1024xf32, #tpu.memory_space<hbm>>) offsets(%arg5 : memref<64xi32, #tpu.memory_space<vmem>>) semaphore(%arg7 : memref<!tpu.dma_semaphore, #tpu.memory_space<semaphore_mem>>)
    %dma_wait3A = arith.constant 0 : i32
    %dma_wait3A_5 = arith.constant 0 : i32
    %dma_wait3A_6 = tpu.memref_slice %arg4[%dma_wait3A, %dma_wait3A_5] : memref<2624x1024xf32, #tpu.memory_space<hbm>> -> memref<2624x1024xf32, #tpu.memory_space<hbm>>
    tpu.wait_indirect_dma semaphore(%arg7 : memref<!tpu.dma_semaphore, #tpu.memory_space<semaphore_mem>>) src(%arg6 : memref<64x1024xf32, #tpu.memory_space<vmem>>) dst(%dma_wait3A_6 : memref<2624x1024xf32, #tpu.memory_space<hbm>>)
    return
  }
}

#map = affine_map<(d0, d1) -> (0, 0)>
#map1 = affine_map<(d0, d1) -> (0)>
module attributes {stable_mosaic.version = 14 : i64} {
  func.func @k(%arg0: i32, %arg1: i32, %arg2: memref<2624x1024xf32, #tpu.memory_space<hbm>>, %arg3: memref<2048xi32, #tpu.memory_space<hbm>>, %arg4: memref<2048x1024xf32, #tpu.memory_space<hbm>>, %arg5: memref<64xi32, #tpu.memory_space<vmem>>, %arg6: memref<64x1024xf32, #tpu.memory_space<vmem>>, %arg7: memref<!tpu.dma_semaphore, #tpu.memory_space<semaphore_mem>>) attributes {dimension_semantics = [#tpu.dimension_semantics<core_parallel>, #tpu.dimension_semantics<subcore_parallel>], iteration_bounds = array<i64: 2, 16>, scalar_prefetch = 0 : i64, scratch_operands = 3 : i64, tpu.core_type = #tpu.core_type<sc_vector_subcore>, window_params = [{transform_indices = #map}, {transform_indices = #map1}, {transform_indices = #map}]} {
    %mul3A = arith.constant 2 : i32
    %mul3A_0 = arith.muli %arg1, %mul3A : i32
    %add3A = arith.addi %mul3A_0, %arg0 : i32
    %mul3A_1 = arith.constant 64 : i32
    %mul3A_2 = arith.muli %add3A, %mul3A_1 : i32
    "tpu.region"() ({
      %run_scoped3A = tpu.sem_alloc : memref<!tpu.dma_semaphore, #tpu.memory_space<semaphore_mem>>
      %dma_start3A_7 = tpu.memref_slice %arg3[%mul3A_2] : memref<2048xi32, #tpu.memory_space<hbm>> -> memref<64xi32, #tpu.memory_space<hbm>>
      %dma_start3A_8 = tpu.memref_slice %arg3[%mul3A_2] : memref<2048xi32, #tpu.memory_space<hbm>> -> memref<64xi32, #tpu.memory_space<hbm>>
      tpu.enqueue_dma source(%dma_start3A_8 : memref<64xi32, #tpu.memory_space<hbm>>) target(%arg5 : memref<64xi32, #tpu.memory_space<vmem>>) target_semaphore(%run_scoped3A : memref<!tpu.dma_semaphore, #tpu.memory_space<semaphore_mem>>)
      %dma_wait3A_9 = tpu.memref_slice %arg3[%mul3A_2] : memref<2048xi32, #tpu.memory_space<hbm>> -> memref<64xi32, #tpu.memory_space<hbm>>
      %dma_wait3A_10 = tpu.memref_slice %arg3[%mul3A_2] : memref<2048xi32, #tpu.memory_space<hbm>> -> memref<64xi32, #tpu.memory_space<hbm>>
      tpu.wait_dma2 semaphore(%run_scoped3A : memref<!tpu.dma_semaphore, #tpu.memory_space<semaphore_mem>>) src(%dma_wait3A_10 : memref<64xi32, #tpu.memory_space<hbm>>) dst(%arg5 : memref<64xi32, #tpu.memory_space<vmem>>)
      tpu.yield
    }) : () -> ()
    %dma_start3A = arith.constant 0 : i32
    %dma_start3A_3 = arith.constant 0 : i32
    %dma_start3A_4 = tpu.memref_slice %arg2[%dma_start3A, %dma_start3A_3] : memref<2624x1024xf32, #tpu.memory_space<hbm>> -> memref<2624x1024xf32, #tpu.memory_space<hbm>>
    tpu.enqueue_indirect_dma source(%dma_start3A_4 : memref<2624x1024xf32, #tpu.memory_space<hbm>>) target(%arg6 : memref<64x1024xf32, #tpu.memory_space<vmem>>) offsets(%arg5 : memref<64xi32, #tpu.memory_space<vmem>>) semaphore(%arg7 : memref<!tpu.dma_semaphore, #tpu.memory_space<semaphore_mem>>)
    %dma_wait3A = arith.constant 0 : i32
    %dma_wait3A_5 = arith.constant 0 : i32
    %dma_wait3A_6 = tpu.memref_slice %arg2[%dma_wait3A, %dma_wait3A_5] : memref<2624x1024xf32, #tpu.memory_space<hbm>> -> memref<2624x1024xf32, #tpu.memory_space<hbm>>
    tpu.wait_indirect_dma semaphore(%arg7 : memref<!tpu.dma_semaphore, #tpu.memory_space<semaphore_mem>>) src(%dma_wait3A_6 : memref<2624x1024xf32, #tpu.memory_space<hbm>>) dst(%arg6 : memref<64x1024xf32, #tpu.memory_space<vmem>>)
    "tpu.region"() ({
      %run_scoped3A = tpu.sem_alloc : memref<!tpu.dma_semaphore, #tpu.memory_space<semaphore_mem>>
      %dma_start3A_7 = arith.constant 0 : i32
      %dma_start3A_8 = tpu.memref_slice %arg4[%mul3A_2, %dma_start3A_7] : memref<2048x1024xf32, #tpu.memory_space<hbm>> -> memref<64x1024xf32, #tpu.memory_space<hbm>>
      %dma_start3A_9 = arith.constant 0 : i32
      %dma_start3A_10 = tpu.memref_slice %arg4[%mul3A_2, %dma_start3A_9] : memref<2048x1024xf32, #tpu.memory_space<hbm>> -> memref<64x1024xf32, #tpu.memory_space<hbm>>
      tpu.enqueue_dma source(%arg6 : memref<64x1024xf32, #tpu.memory_space<vmem>>) target(%dma_start3A_10 : memref<64x1024xf32, #tpu.memory_space<hbm>>) target_semaphore(%run_scoped3A : memref<!tpu.dma_semaphore, #tpu.memory_space<semaphore_mem>>)
      %dma_wait3A_11 = arith.constant 0 : i32
      %dma_wait3A_12 = tpu.memref_slice %arg4[%mul3A_2, %dma_wait3A_11] : memref<2048x1024xf32, #tpu.memory_space<hbm>> -> memref<64x1024xf32, #tpu.memory_space<hbm>>
      %dma_wait3A_13 = arith.constant 0 : i32
      %dma_wait3A_14 = tpu.memref_slice %arg4[%mul3A_2, %dma_wait3A_13] : memref<2048x1024xf32, #tpu.memory_space<hbm>> -> memref<64x1024xf32, #tpu.memory_space<hbm>>
      tpu.wait_dma2 semaphore(%run_scoped3A : memref<!tpu.dma_semaphore, #tpu.memory_space<semaphore_mem>>) src(%arg6 : memref<64x1024xf32, #tpu.memory_space<vmem>>) dst(%dma_wait3A_14 : memref<64x1024xf32, #tpu.memory_space<hbm>>)
      tpu.yield
    }) : () -> ()
    return
  }
}

module attributes {stable_mosaic.version = 14 : i64} {
  func.func @_mm_kernel(%arg0: i32, %arg1: memref<128xi32, #tpu.memory_space<smem>>, %arg2: memref<2624x1024xf32, #tpu.memory_space<vmem>>, %arg3: memref<8x512x64xf32, #tpu.memory_space<vmem>>, %arg4: memref<8x512x64xf32, #tpu.memory_space<vmem>>, %arg5: memref<8x64x1024xf32, #tpu.memory_space<vmem>>, %arg6: memref<2624x1024xf32, #tpu.memory_space<vmem>>) attributes {dimension_semantics = [#tpu.dimension_semantics<arbitrary>], iteration_bounds = array<i64: 8>, scalar_prefetch = 1 : i64, scratch_operands = 0 : i64, tpu.core_type = #tpu.core_type<tc>, window_params = [{pipeline_mode = #tpu.pipeline_mode<synchronous>, transform_indices = @transform_0, window_bounds = array<i64: 2624, 1024>}, {transform_indices = @transform_1, window_bounds = array<i64: 8, 512, 64>}, {transform_indices = @transform_2, window_bounds = array<i64: 8, 512, 64>}, {transform_indices = @transform_3, window_bounds = array<i64: 8, 64, 1024>}, {pipeline_mode = #tpu.pipeline_mode<synchronous>, transform_indices = @transform_4, window_bounds = array<i64: 2624, 1024>}]} {
    %mul3A = arith.constant 8 : i32
    %mul3A_0 = arith.muli %arg0, %mul3A : i32
    %add3A = arith.constant 0 : i32
    %add3A_1 = arith.addi %mul3A_0, %add3A : i32
    %mul3A_2 = arith.constant 2 : i32
    %mul3A_3 = arith.muli %mul3A_2, %add3A_1 : i32
    %get3A = arith.index_cast %mul3A_3 : i32 to index
    %get3A_4 = memref.load %arg1[%get3A] : memref<128xi32, #tpu.memory_space<smem>>
    %mul3A_5 = arith.constant 2 : i32
    %mul3A_6 = arith.muli %mul3A_5, %add3A_1 : i32
    %add3A_7 = arith.constant 1 : i32
    %add3A_8 = arith.addi %mul3A_6, %add3A_7 : i32
    %get3A_9 = arith.index_cast %add3A_8 : i32 to index
    %get3A_10 = memref.load %arg1[%get3A_9] : memref<128xi32, #tpu.memory_space<smem>>
    %get3A_11 = arith.constant 0 : index
    %get3A_12 = arith.constant 0 : index
    %get3A_13 = arith.constant 0 : index
    %get3A_14 = vector.load %arg3[%get3A_11, %get3A_12, %get3A_13] : memref<8x512x64xf32, #tpu.memory_space<vmem>>, vector<1x512x64xf32>
    %get3A_15 = vector.shape_cast %get3A_14 : vector<1x512x64xf32> to vector<512x64xf32>
    %get3A_16 = arith.constant 0 : index
    %get3A_17 = arith.constant 0 : index
    %get3A_18 = arith.constant 0 : index
    %get3A_19 = vector.load %arg4[%get3A_16, %get3A_17, %get3A_18] : memref<8x512x64xf32, #tpu.memory_space<vmem>>, vector<1x512x64xf32>
    %get3A_20 = vector.shape_cast %get3A_19 : vector<1x512x64xf32> to vector<512x64xf32>
    %get3A_21 = arith.constant 0 : index
    %get3A_22 = arith.constant 0 : index
    %get3A_23 = arith.constant 0 : index
    %get3A_24 = vector.load %arg5[%get3A_21, %get3A_22, %get3A_23] : memref<8x64x1024xf32, #tpu.memory_space<vmem>>, vector<1x64x1024xf32>
    %get3A_25 = vector.shape_cast %get3A_24 : vector<1x64x1024xf32> to vector<64x1024xf32>
    %add3A_26 = arith.constant 64 : i32
    %add3A_27 = arith.addi %get3A_10, %add3A_26 : i32
    %sub3A = arith.constant 1 : i32
    %sub3A_28 = arith.subi %add3A_27, %sub3A : i32
    %jit3A = arith.constant 64 : i32
    %div3A = arith.divsi %sub3A_28, %jit3A : i32
    %sign3A = arith.constant 0 : i32
    %sign3A_29 = arith.cmpi sgt, %sub3A_28, %sign3A : i32
    %sign3A_30 = arith.extui %sign3A_29 : i1 to i32
    %sign3A_31 = arith.constant 0 : i32
    %sign3A_32 = arith.cmpi slt, %sub3A_28, %sign3A_31 : i32
    %sign3A_33 = arith.extui %sign3A_32 : i1 to i32
    %sign3A_34 = arith.subi %sign3A_30, %sign3A_33 : i32
    %sign3A_35 = arith.constant 0 : i32
    %sign3A_36 = arith.cmpi sgt, %jit3A, %sign3A_35 : i32
    %sign3A_37 = arith.extui %sign3A_36 : i1 to i32
    %sign3A_38 = arith.constant 0 : i32
    %sign3A_39 = arith.cmpi slt, %jit3A, %sign3A_38 : i32
    %sign3A_40 = arith.extui %sign3A_39 : i1 to i32
    %sign3A_41 = arith.subi %sign3A_37, %sign3A_40 : i32
    %ne3A = arith.cmpi ne, %sign3A_34, %sign3A_41 : i32
    %rem3A = arith.remsi %sub3A_28, %jit3A : i32
    %ne3A_42 = arith.constant 0 : i32
    %ne3A_43 = arith.cmpi ne, %rem3A, %ne3A_42 : i32
    %and3A = arith.andi %ne3A, %ne3A_43 : i1
    %sub3A_44 = arith.constant 1 : i32
    %sub3A_45 = arith.subi %div3A, %sub3A_44 : i32
    %select_n3A = arith.select %and3A, %sub3A_45, %div3A : i32
    %add3A_46 = arith.constant 0 : i32
    %add3A_47 = arith.addi %get3A_4, %add3A_46 : i32
    %multiple_of3A = tpu.assume_multiple %add3A_47, 8 : i32
    %get3A_48 = arith.index_cast %multiple_of3A : i32 to index
    %get3A_49 = arith.constant 0 : index
    %get3A_50 = vector.load %arg2[%get3A_48, %get3A_49] : memref<2624x1024xf32, #tpu.memory_space<vmem>>, vector<64x1024xf32>
    %slice3A = vector.extract_strided_slice %get3A_50 {offsets = [0, 0], sizes = [64, 512], strides = [1, 1]} : vector<64x1024xf32> to vector<64x512xf32>
    %dot_general3A = arith.constant dense<0.000000e+00> : vector<64x64xf32>
    %dot_general3A_51 = tpu.matmul %slice3A, %get3A_15, %dot_general3A {dimension_numbers = #tpu.dot_dimension_numbers<[1], [0], [0], [1], [0, 0, 1, 1], [], []>, transpose_lhs_hint = false} : vector<64x512xf32>, vector<512x64xf32>, vector<64x64xf32> -> vector<64x64xf32>
    %slice3A_52 = vector.extract_strided_slice %get3A_50 {offsets = [0, 512], sizes = [64, 512], strides = [1, 1]} : vector<64x1024xf32> to vector<64x512xf32>
    %dot_general3A_53 = arith.constant dense<0.000000e+00> : vector<64x64xf32>
    %dot_general3A_54 = tpu.matmul %slice3A_52, %get3A_20, %dot_general3A_53 {dimension_numbers = #tpu.dot_dimension_numbers<[1], [0], [0], [1], [0, 0, 1, 1], [], []>, transpose_lhs_hint = false} : vector<64x512xf32>, vector<512x64xf32>, vector<64x64xf32> -> vector<64x64xf32>
    %add3A_55 = arith.addf %dot_general3A_51, %dot_general3A_54 : vector<64x64xf32>
    %max3A = arith.constant 0.000000e+00 : f32
    %max3A_56 = vector.broadcast %max3A : f32 to vector<64x64xf32>
    %max3A_57 = arith.maximumf %add3A_55, %max3A_56 : vector<64x64xf32>
    %mul3A_58 = arith.mulf %max3A_57, %max3A_57 : vector<64x64xf32>
    %dot_general3A_59 = arith.constant dense<0.000000e+00> : vector<64x1024xf32>
    %dot_general3A_60 = tpu.matmul %mul3A_58, %get3A_25, %dot_general3A_59 {dimension_numbers = #tpu.dot_dimension_numbers<[1], [0], [0], [1], [0, 0, 1, 1], [], []>, transpose_lhs_hint = false} : vector<64x64xf32>, vector<64x1024xf32>, vector<64x1024xf32> -> vector<64x1024xf32>
    %swap3A = arith.index_cast %multiple_of3A : i32 to index
    %swap3A_61 = arith.constant 0 : index
    %swap3A_62 = vector.load %arg6[%swap3A, %swap3A_61] : memref<2624x1024xf32, #tpu.memory_space<vmem>>, vector<64x1024xf32>
    tpu.vector_store %arg6[%swap3A, %swap3A_61], %dot_general3A_60 {strides = array<i32>} : memref<2624x1024xf32, #tpu.memory_space<vmem>>, vector<64x1024xf32>,
    %while3A = arith.constant 0 : i32
    %while3A_63 = arith.constant 1 : i32
    %while3A_64 = arith.subi %select_n3A, %while3A_63 : i32
    %while3A_65 = arith.addi %while3A_63, %while3A_64 : i32
    %while3A_66 = arith.constant 1 : i32
    %while3A_67 = arith.divsi %while3A_64, %while3A_66 : i32
    %while3A_68 = arith.muli %while3A_67, %while3A_66 : i32
    %while3A_69 = arith.addi %while3A_63, %while3A_68 : i32
    %while3A_70 = arith.constant 1 : i32
    scf.for %while3A_695 = %while3A_63 to %while3A_69 step %while3A_70  : i32 {
      %mul3A_696 = arith.constant 64 : i32
      %mul3A_697 = arith.muli %while3A_695, %mul3A_696 : i32
      %add3A_698 = arith.addi %get3A_4, %mul3A_697 : i32
      %multiple_of3A_699 = tpu.assume_multiple %add3A_698, 8 : i32
      %get3A_700 = arith.index_cast %multiple_of3A_699 : i32 to index
      %get3A_701 = arith.constant 0 : index
      %get3A_702 = vector.load %arg2[%get3A_700, %get3A_701] : memref<2624x1024xf32, #tpu.memory_space<vmem>>, vector<64x1024xf32>
      %slice3A_703 = vector.extract_strided_slice %get3A_702 {offsets = [0, 0], sizes = [64, 512], strides = [1, 1]} : vector<64x1024xf32> to vector<64x512xf32>
      %dot_general3A_704 = arith.constant dense<0.000000e+00> : vector<64x64xf32>
      %dot_general3A_705 = tpu.matmul %slice3A_703, %get3A_15, %dot_general3A_704 {dimension_numbers = #tpu.dot_dimension_numbers<[1], [0], [0], [1], [0, 0, 1, 1], [], []>, transpose_lhs_hint = false} : vector<64x512xf32>, vector<512x64xf32>, vector<64x64xf32> -> vector<64x64xf32>
      %slice3A_706 = vector.extract_strided_slice %get3A_702 {offsets = [0, 512], sizes = [64, 512], strides = [1, 1]} : vector<64x1024xf32> to vector<64x512xf32>
      %dot_general3A_707 = arith.constant dense<0.000000e+00> : vector<64x64xf32>
      %dot_general3A_708 = tpu.matmul %slice3A_706, %get3A_20, %dot_general3A_707 {dimension_numbers = #tpu.dot_dimension_numbers<[1], [0], [0], [1], [0, 0, 1, 1], [], []>, transpose_lhs_hint = false} : vector<64x512xf32>, vector<512x64xf32>, vector<64x64xf32> -> vector<64x64xf32>
      %add3A_709 = arith.addf %dot_general3A_705, %dot_general3A_708 : vector<64x64xf32>
      %max3A_710 = arith.constant 0.000000e+00 : f32
      %max3A_711 = vector.broadcast %max3A_710 : f32 to vector<64x64xf32>
      %max3A_712 = arith.maximumf %add3A_709, %max3A_711 : vector<64x64xf32>
      %mul3A_713 = arith.mulf %max3A_712, %max3A_712 : vector<64x64xf32>
      %dot_general3A_714 = arith.constant dense<0.000000e+00> : vector<64x1024xf32>
      %dot_general3A_715 = tpu.matmul %mul3A_713, %get3A_25, %dot_general3A_714 {dimension_numbers = #tpu.dot_dimension_numbers<[1], [0], [0], [1], [0, 0, 1, 1], [], []>, transpose_lhs_hint = false} : vector<64x64xf32>, vector<64x1024xf32>, vector<64x1024xf32> -> vector<64x1024xf32>
      %swap3A_716 = arith.index_cast %multiple_of3A_699 : i32 to index
      %swap3A_717 = arith.constant 0 : index
      %swap3A_718 = vector.load %arg6[%swap3A_716, %swap3A_717] : memref<2624x1024xf32, #tpu.memory_space<vmem>>, vector<64x1024xf32>
      tpu.vector_store %arg6[%swap3A_716, %swap3A_717], %dot_general3A_715 {strides = array<i32>} : memref<2624x1024xf32, #tpu.memory_space<vmem>>, vector<64x1024xf32>,
    }
    %while3A_71 = arith.constant 1 : i32
    scf.for %while3A_695 = %while3A_69 to %while3A_65 step %while3A_71  : i32 {
      %mul3A_696 = arith.constant 64 : i32
      %mul3A_697 = arith.muli %while3A_695, %mul3A_696 : i32
      %add3A_698 = arith.addi %get3A_4, %mul3A_697 : i32
      %multiple_of3A_699 = tpu.assume_multiple %add3A_698, 8 : i32
      %get3A_700 = arith.index_cast %multiple_of3A_699 : i32 to index
      %get3A_701 = arith.constant 0 : index
      %get3A_702 = vector.load %arg2[%get3A_700, %get3A_701] : memref<2624x1024xf32, #tpu.memory_space<vmem>>, vector<64x1024xf32>
      %slice3A_703 = vector.extract_strided_slice %get3A_702 {offsets = [0, 0], sizes = [64, 512], strides = [1, 1]} : vector<64x1024xf32> to vector<64x512xf32>
      %dot_general3A_704 = arith.constant dense<0.000000e+00> : vector<64x64xf32>
      %dot_general3A_705 = tpu.matmul %slice3A_703, %get3A_15, %dot_general3A_704 {dimension_numbers = #tpu.dot_dimension_numbers<[1], [0], [0], [1], [0, 0, 1, 1], [], []>, transpose_lhs_hint = false} : vector<64x512xf32>, vector<512x64xf32>, vector<64x64xf32> -> vector<64x64xf32>
      %slice3A_706 = vector.extract_strided_slice %get3A_702 {offsets = [0, 512], sizes = [64, 512], strides = [1, 1]} : vector<64x1024xf32> to vector<64x512xf32>
      %dot_general3A_707 = arith.constant dense<0.000000e+00> : vector<64x64xf32>
      %dot_general3A_708 = tpu.matmul %slice3A_706, %get3A_20, %dot_general3A_707 {dimension_numbers = #tpu.dot_dimension_numbers<[1], [0], [0], [1], [0, 0, 1, 1], [], []>, transpose_lhs_hint = false} : vector<64x512xf32>, vector<512x64xf32>, vector<64x64xf32> -> vector<64x64xf32>
      %add3A_709 = arith.addf %dot_general3A_705, %dot_general3A_708 : vector<64x64xf32>
      %max3A_710 = arith.constant 0.000000e+00 : f32
      %max3A_711 = vector.broadcast %max3A_710 : f32 to vector<64x64xf32>
      %max3A_712 = arith.maximumf %add3A_709, %max3A_711 : vector<64x64xf32>
      %mul3A_713 = arith.mulf %max3A_712, %max3A_712 : vector<64x64xf32>
      %dot_general3A_714 = arith.constant dense<0.000000e+00> : vector<64x1024xf32>
      %dot_general3A_715 = tpu.matmul %mul3A_713, %get3A_25, %dot_general3A_714 {dimension_numbers = #tpu.dot_dimension_numbers<[1], [0], [0], [1], [0, 0, 1, 1], [], []>, transpose_lhs_hint = false} : vector<64x64xf32>, vector<64x1024xf32>, vector<64x1024xf32> -> vector<64x1024xf32>
      %swap3A_716 = arith.index_cast %multiple_of3A_699 : i32 to index
      %swap3A_717 = arith.constant 0 : index
      %swap3A_718 = vector.load %arg6[%swap3A_716, %swap3A_717] : memref<2624x1024xf32, #tpu.memory_space<vmem>>, vector<64x1024xf32>
      tpu.vector_store %arg6[%swap3A_716, %swap3A_717], %dot_general3A_715 {strides = array<i32>} : memref<2624x1024xf32, #tpu.memory_space<vmem>>, vector<64x1024xf32>,
    }
    %mul3A_72 = arith.constant 8 : i32
    %mul3A_73 = arith.muli %arg0, %mul3A_72 : i32
    %add3A_74 = arith.constant 1 : i32
    %add3A_75 = arith.addi %mul3A_73, %add3A_74 : i32
    %mul3A_76 = arith.constant 2 : i32
    %mul3A_77 = arith.muli %mul3A_76, %add3A_75 : i32
    %get3A_78 = arith.index_cast %mul3A_77 : i32 to index
    %get3A_79 = memref.load %arg1[%get3A_78] : memref<128xi32, #tpu.memory_space<smem>>
    %mul3A_80 = arith.constant 2 : i32
    %mul3A_81 = arith.muli %mul3A_80, %add3A_75 : i32
    %add3A_82 = arith.constant 1 : i32
    %add3A_83 = arith.addi %mul3A_81, %add3A_82 : i32
    %get3A_84 = arith.index_cast %add3A_83 : i32 to index
    %get3A_85 = memref.load %arg1[%get3A_84] : memref<128xi32, #tpu.memory_space<smem>>
    %get3A_86 = arith.constant 1 : index
    %get3A_87 = arith.constant 0 : index
    %get3A_88 = arith.constant 0 : index
    %get3A_89 = vector.load %arg3[%get3A_86, %get3A_87, %get3A_88] : memref<8x512x64xf32, #tpu.memory_space<vmem>>, vector<1x512x64xf32>
    %get3A_90 = vector.shape_cast %get3A_89 : vector<1x512x64xf32> to vector<512x64xf32>
    %get3A_91 = arith.constant 1 : index
    %get3A_92 = arith.constant 0 : index
    %get3A_93 = arith.constant 0 : index
    %get3A_94 = vector.load %arg4[%get3A_91, %get3A_92, %get3A_93] : memref<8x512x64xf32, #tpu.memory_space<vmem>>, vector<1x512x64xf32>
    %get3A_95 = vector.shape_cast %get3A_94 : vector<1x512x64xf32> to vector<512x64xf32>
    %get3A_96 = arith.constant 1 : index
    %get3A_97 = arith.constant 0 : index
    %get3A_98 = arith.constant 0 : index
    %get3A_99 = vector.load %arg5[%get3A_96, %get3A_97, %get3A_98] : memref<8x64x1024xf32, #tpu.memory_space<vmem>>, vector<1x64x1024xf32>
    %get3A_100 = vector.shape_cast %get3A_99 : vector<1x64x1024xf32> to vector<64x1024xf32>
    %add3A_101 = arith.constant 64 : i32
    %add3A_102 = arith.addi %get3A_85, %add3A_101 : i32
    %sub3A_103 = arith.constant 1 : i32
    %sub3A_104 = arith.subi %add3A_102, %sub3A_103 : i32
    %jit3A_105 = arith.constant 64 : i32
    %div3A_106 = arith.divsi %sub3A_104, %jit3A_105 : i32
    %sign3A_107 = arith.constant 0 : i32
    %sign3A_108 = arith.cmpi sgt, %sub3A_104, %sign3A_107 : i32
    %sign3A_109 = arith.extui %sign3A_108 : i1 to i32
    %sign3A_110 = arith.constant 0 : i32
    %sign3A_111 = arith.cmpi slt, %sub3A_104, %sign3A_110 : i32
    %sign3A_112 = arith.extui %sign3A_111 : i1 to i32
    %sign3A_113 = arith.subi %sign3A_109, %sign3A_112 : i32
    %sign3A_114 = arith.constant 0 : i32
    %sign3A_115 = arith.cmpi sgt, %jit3A_105, %sign3A_114 : i32
    %sign3A_116 = arith.extui %sign3A_115 : i1 to i32
    %sign3A_117 = arith.constant 0 : i32
    %sign3A_118 = arith.cmpi slt, %jit3A_105, %sign3A_117 : i32
    %sign3A_119 = arith.extui %sign3A_118 : i1 to i32
    %sign3A_120 = arith.subi %sign3A_116, %sign3A_119 : i32
    %ne3A_121 = arith.cmpi ne, %sign3A_113, %sign3A_120 : i32
    %rem3A_122 = arith.remsi %sub3A_104, %jit3A_105 : i32
    %ne3A_123 = arith.constant 0 : i32
    %ne3A_124 = arith.cmpi ne, %rem3A_122, %ne3A_123 : i32
    %and3A_125 = arith.andi %ne3A_121, %ne3A_124 : i1
    %sub3A_126 = arith.constant 1 : i32
    %sub3A_127 = arith.subi %div3A_106, %sub3A_126 : i32
    %select_n3A_128 = arith.select %and3A_125, %sub3A_127, %div3A_106 : i32
    %add3A_129 = arith.constant 0 : i32
    %add3A_130 = arith.addi %get3A_79, %add3A_129 : i32
    %multiple_of3A_131 = tpu.assume_multiple %add3A_130, 8 : i32
    %get3A_132 = arith.index_cast %multiple_of3A_131 : i32 to index
    %get3A_133 = arith.constant 0 : index
    %get3A_134 = vector.load %arg2[%get3A_132, %get3A_133] : memref<2624x1024xf32, #tpu.memory_space<vmem>>, vector<64x1024xf32>
    %slice3A_135 = vector.extract_strided_slice %get3A_134 {offsets = [0, 0], sizes = [64, 512], strides = [1, 1]} : vector<64x1024xf32> to vector<64x512xf32>
    %dot_general3A_136 = arith.constant dense<0.000000e+00> : vector<64x64xf32>
    %dot_general3A_137 = tpu.matmul %slice3A_135, %get3A_90, %dot_general3A_136 {dimension_numbers = #tpu.dot_dimension_numbers<[1], [0], [0], [1], [0, 0, 1, 1], [], []>, transpose_lhs_hint = false} : vector<64x512xf32>, vector<512x64xf32>, vector<64x64xf32> -> vector<64x64xf32>
    %slice3A_138 = vector.extract_strided_slice %get3A_134 {offsets = [0, 512], sizes = [64, 512], strides = [1, 1]} : vector<64x1024xf32> to vector<64x512xf32>
    %dot_general3A_139 = arith.constant dense<0.000000e+00> : vector<64x64xf32>
    %dot_general3A_140 = tpu.matmul %slice3A_138, %get3A_95, %dot_general3A_139 {dimension_numbers = #tpu.dot_dimension_numbers<[1], [0], [0], [1], [0, 0, 1, 1], [], []>, transpose_lhs_hint = false} : vector<64x512xf32>, vector<512x64xf32>, vector<64x64xf32> -> vector<64x64xf32>
    %add3A_141 = arith.addf %dot_general3A_137, %dot_general3A_140 : vector<64x64xf32>
    %max3A_142 = arith.constant 0.000000e+00 : f32
    %max3A_143 = vector.broadcast %max3A_142 : f32 to vector<64x64xf32>
    %max3A_144 = arith.maximumf %add3A_141, %max3A_143 : vector<64x64xf32>
    %mul3A_145 = arith.mulf %max3A_144, %max3A_144 : vector<64x64xf32>
    %dot_general3A_146 = arith.constant dense<0.000000e+00> : vector<64x1024xf32>
    %dot_general3A_147 = tpu.matmul %mul3A_145, %get3A_100, %dot_general3A_146 {dimension_numbers = #tpu.dot_dimension_numbers<[1], [0], [0], [1], [0, 0, 1, 1], [], []>, transpose_lhs_hint = false} : vector<64x64xf32>, vector<64x1024xf32>, vector<64x1024xf32> -> vector<64x1024xf32>
    %swap3A_148 = arith.index_cast %multiple_of3A_131 : i32 to index
    %swap3A_149 = arith.constant 0 : index
    %swap3A_150 = vector.load %arg6[%swap3A_148, %swap3A_149] : memref<2624x1024xf32, #tpu.memory_space<vmem>>, vector<64x1024xf32>
    tpu.vector_store %arg6[%swap3A_148, %swap3A_149], %dot_general3A_147 {strides = array<i32>} : memref<2624x1024xf32, #tpu.memory_space<vmem>>, vector<64x1024xf32>,
    %while3A_151 = arith.constant 0 : i32
    %while3A_152 = arith.constant 1 : i32
    %while3A_153 = arith.subi %select_n3A_128, %while3A_152 : i32
    %while3A_154 = arith.addi %while3A_152, %while3A_153 : i32
    %while3A_155 = arith.constant 1 : i32
    %while3A_156 = arith.divsi %while3A_153, %while3A_155 : i32
    %while3A_157 = arith.muli %while3A_156, %while3A_155 : i32
    %while3A_158 = arith.addi %while3A_152, %while3A_157 : i32
    %while3A_159 = arith.constant 1 : i32
    scf.for %while3A_695 = %while3A_152 to %while3A_158 step %while3A_159  : i32 {
      %mul3A_696 = arith.constant 64 : i32
      %mul3A_697 = arith.muli %while3A_695, %mul3A_696 : i32
      %add3A_698 = arith.addi %get3A_79, %mul3A_697 : i32
      %multiple_of3A_699 = tpu.assume_multiple %add3A_698, 8 : i32
      %get3A_700 = arith.index_cast %multiple_of3A_699 : i32 to index
      %get3A_701 = arith.constant 0 : index
      %get3A_702 = vector.load %arg2[%get3A_700, %get3A_701] : memref<2624x1024xf32, #tpu.memory_space<vmem>>, vector<64x1024xf32>
      %slice3A_703 = vector.extract_strided_slice %get3A_702 {offsets = [0, 0], sizes = [64, 512], strides = [1, 1]} : vector<64x1024xf32> to vector<64x512xf32>
      %dot_general3A_704 = arith.constant dense<0.000000e+00> : vector<64x64xf32>
      %dot_general3A_705 = tpu.matmul %slice3A_703, %get3A_90, %dot_general3A_704 {dimension_numbers = #tpu.dot_dimension_numbers<[1], [0], [0], [1], [0, 0, 1, 1], [], []>, transpose_lhs_hint = false} : vector<64x512xf32>, vector<512x64xf32>, vector<64x64xf32> -> vector<64x64xf32>
      %slice3A_706 = vector.extract_strided_slice %get3A_702 {offsets = [0, 512], sizes = [64, 512], strides = [1, 1]} : vector<64x1024xf32> to vector<64x512xf32>
      %dot_general3A_707 = arith.constant dense<0.000000e+00> : vector<64x64xf32>
      %dot_general3A_708 = tpu.matmul %slice3A_706, %get3A_95, %dot_general3A_707 {dimension_numbers = #tpu.dot_dimension_numbers<[1], [0], [0], [1], [0, 0, 1, 1], [], []>, transpose_lhs_hint = false} : vector<64x512xf32>, vector<512x64xf32>, vector<64x64xf32> -> vector<64x64xf32>
      %add3A_709 = arith.addf %dot_general3A_705, %dot_general3A_708 : vector<64x64xf32>
      %max3A_710 = arith.constant 0.000000e+00 : f32
      %max3A_711 = vector.broadcast %max3A_710 : f32 to vector<64x64xf32>
      %max3A_712 = arith.maximumf %add3A_709, %max3A_711 : vector<64x64xf32>
      %mul3A_713 = arith.mulf %max3A_712, %max3A_712 : vector<64x64xf32>
      %dot_general3A_714 = arith.constant dense<0.000000e+00> : vector<64x1024xf32>
      %dot_general3A_715 = tpu.matmul %mul3A_713, %get3A_100, %dot_general3A_714 {dimension_numbers = #tpu.dot_dimension_numbers<[1], [0], [0], [1], [0, 0, 1, 1], [], []>, transpose_lhs_hint = false} : vector<64x64xf32>, vector<64x1024xf32>, vector<64x1024xf32> -> vector<64x1024xf32>
      %swap3A_716 = arith.index_cast %multiple_of3A_699 : i32 to index
      %swap3A_717 = arith.constant 0 : index
      %swap3A_718 = vector.load %arg6[%swap3A_716, %swap3A_717] : memref<2624x1024xf32, #tpu.memory_space<vmem>>, vector<64x1024xf32>
      tpu.vector_store %arg6[%swap3A_716, %swap3A_717], %dot_general3A_715 {strides = array<i32>} : memref<2624x1024xf32, #tpu.memory_space<vmem>>, vector<64x1024xf32>,
    }
    %while3A_160 = arith.constant 1 : i32
    scf.for %while3A_695 = %while3A_158 to %while3A_154 step %while3A_160  : i32 {
      %mul3A_696 = arith.constant 64 : i32
      %mul3A_697 = arith.muli %while3A_695, %mul3A_696 : i32
      %add3A_698 = arith.addi %get3A_79, %mul3A_697 : i32
      %multiple_of3A_699 = tpu.assume_multiple %add3A_698, 8 : i32
      %get3A_700 = arith.index_cast %multiple_of3A_699 : i32 to index
      %get3A_701 = arith.constant 0 : index
      %get3A_702 = vector.load %arg2[%get3A_700, %get3A_701] : memref<2624x1024xf32, #tpu.memory_space<vmem>>, vector<64x1024xf32>
      %slice3A_703 = vector.extract_strided_slice %get3A_702 {offsets = [0, 0], sizes = [64, 512], strides = [1, 1]} : vector<64x1024xf32> to vector<64x512xf32>
      %dot_general3A_704 = arith.constant dense<0.000000e+00> : vector<64x64xf32>
      %dot_general3A_705 = tpu.matmul %slice3A_703, %get3A_90, %dot_general3A_704 {dimension_numbers = #tpu.dot_dimension_numbers<[1], [0], [0], [1], [0, 0, 1, 1], [], []>, transpose_lhs_hint = false} : vector<64x512xf32>, vector<512x64xf32>, vector<64x64xf32> -> vector<64x64xf32>
      %slice3A_706 = vector.extract_strided_slice %get3A_702 {offsets = [0, 512], sizes = [64, 512], strides = [1, 1]} : vector<64x1024xf32> to vector<64x512xf32>
      %dot_general3A_707 = arith.constant dense<0.000000e+00> : vector<64x64xf32>
      %dot_general3A_708 = tpu.matmul %slice3A_706, %get3A_95, %dot_general3A_707 {dimension_numbers = #tpu.dot_dimension_numbers<[1], [0], [0], [1], [0, 0, 1, 1], [], []>, transpose_lhs_hint = false} : vector<64x512xf32>, vector<512x64xf32>, vector<64x64xf32> -> vector<64x64xf32>
      %add3A_709 = arith.addf %dot_general3A_705, %dot_general3A_708 : vector<64x64xf32>
      %max3A_710 = arith.constant 0.000000e+00 : f32
      %max3A_711 = vector.broadcast %max3A_710 : f32 to vector<64x64xf32>
      %max3A_712 = arith.maximumf %add3A_709, %max3A_711 : vector<64x64xf32>
      %mul3A_713 = arith.mulf %max3A_712, %max3A_712 : vector<64x64xf32>
      %dot_general3A_714 = arith.constant dense<0.000000e+00> : vector<64x1024xf32>
      %dot_general3A_715 = tpu.matmul %mul3A_713, %get3A_100, %dot_general3A_714 {dimension_numbers = #tpu.dot_dimension_numbers<[1], [0], [0], [1], [0, 0, 1, 1], [], []>, transpose_lhs_hint = false} : vector<64x64xf32>, vector<64x1024xf32>, vector<64x1024xf32> -> vector<64x1024xf32>
      %swap3A_716 = arith.index_cast %multiple_of3A_699 : i32 to index
      %swap3A_717 = arith.constant 0 : index
      %swap3A_718 = vector.load %arg6[%swap3A_716, %swap3A_717] : memref<2624x1024xf32, #tpu.memory_space<vmem>>, vector<64x1024xf32>
      tpu.vector_store %arg6[%swap3A_716, %swap3A_717], %dot_general3A_715 {strides = array<i32>} : memref<2624x1024xf32, #tpu.memory_space<vmem>>, vector<64x1024xf32>,
    }
    %mul3A_161 = arith.constant 8 : i32
    %mul3A_162 = arith.muli %arg0, %mul3A_161 : i32
    %add3A_163 = arith.constant 2 : i32
    %add3A_164 = arith.addi %mul3A_162, %add3A_163 : i32
    %mul3A_165 = arith.constant 2 : i32
    %mul3A_166 = arith.muli %mul3A_165, %add3A_164 : i32
    %get3A_167 = arith.index_cast %mul3A_166 : i32 to index
    %get3A_168 = memref.load %arg1[%get3A_167] : memref<128xi32, #tpu.memory_space<smem>>
    %mul3A_169 = arith.constant 2 : i32
    %mul3A_170 = arith.muli %mul3A_169, %add3A_164 : i32
    %add3A_171 = arith.constant 1 : i32
    %add3A_172 = arith.addi %mul3A_170, %add3A_171 : i32
    %get3A_173 = arith.index_cast %add3A_172 : i32 to index
    %get3A_174 = memref.load %arg1[%get3A_173] : memref<128xi32, #tpu.memory_space<smem>>
    %get3A_175 = arith.constant 2 : index
    %get3A_176 = arith.constant 0 : index
    %get3A_177 = arith.constant 0 : index
    %get3A_178 = vector.load %arg3[%get3A_175, %get3A_176, %get3A_177] : memref<8x512x64xf32, #tpu.memory_space<vmem>>, vector<1x512x64xf32>
    %get3A_179 = vector.shape_cast %get3A_178 : vector<1x512x64xf32> to vector<512x64xf32>
    %get3A_180 = arith.constant 2 : index
    %get3A_181 = arith.constant 0 : index
    %get3A_182 = arith.constant 0 : index
    %get3A_183 = vector.load %arg4[%get3A_180, %get3A_181, %get3A_182] : memref<8x512x64xf32, #tpu.memory_space<vmem>>, vector<1x512x64xf32>
    %get3A_184 = vector.shape_cast %get3A_183 : vector<1x512x64xf32> to vector<512x64xf32>
    %get3A_185 = arith.constant 2 : index
    %get3A_186 = arith.constant 0 : index
    %get3A_187 = arith.constant 0 : index
    %get3A_188 = vector.load %arg5[%get3A_185, %get3A_186, %get3A_187] : memref<8x64x1024xf32, #tpu.memory_space<vmem>>, vector<1x64x1024xf32>
    %get3A_189 = vector.shape_cast %get3A_188 : vector<1x64x1024xf32> to vector<64x1024xf32>
    %add3A_190 = arith.constant 64 : i32
    %add3A_191 = arith.addi %get3A_174, %add3A_190 : i32
    %sub3A_192 = arith.constant 1 : i32
    %sub3A_193 = arith.subi %add3A_191, %sub3A_192 : i32
    %jit3A_194 = arith.constant 64 : i32
    %div3A_195 = arith.divsi %sub3A_193, %jit3A_194 : i32
    %sign3A_196 = arith.constant 0 : i32
    %sign3A_197 = arith.cmpi sgt, %sub3A_193, %sign3A_196 : i32
    %sign3A_198 = arith.extui %sign3A_197 : i1 to i32
    %sign3A_199 = arith.constant 0 : i32
    %sign3A_200 = arith.cmpi slt, %sub3A_193, %sign3A_199 : i32
    %sign3A_201 = arith.extui %sign3A_200 : i1 to i32
    %sign3A_202 = arith.subi %sign3A_198, %sign3A_201 : i32
    %sign3A_203 = arith.constant 0 : i32
    %sign3A_204 = arith.cmpi sgt, %jit3A_194, %sign3A_203 : i32
    %sign3A_205 = arith.extui %sign3A_204 : i1 to i32
    %sign3A_206 = arith.constant 0 : i32
    %sign3A_207 = arith.cmpi slt, %jit3A_194, %sign3A_206 : i32
    %sign3A_208 = arith.extui %sign3A_207 : i1 to i32
    %sign3A_209 = arith.subi %sign3A_205, %sign3A_208 : i32
    %ne3A_210 = arith.cmpi ne, %sign3A_202, %sign3A_209 : i32
    %rem3A_211 = arith.remsi %sub3A_193, %jit3A_194 : i32
    %ne3A_212 = arith.constant 0 : i32
    %ne3A_213 = arith.cmpi ne, %rem3A_211, %ne3A_212 : i32
    %and3A_214 = arith.andi %ne3A_210, %ne3A_213 : i1
    %sub3A_215 = arith.constant 1 : i32
    %sub3A_216 = arith.subi %div3A_195, %sub3A_215 : i32
    %select_n3A_217 = arith.select %and3A_214, %sub3A_216, %div3A_195 : i32
    %add3A_218 = arith.constant 0 : i32
    %add3A_219 = arith.addi %get3A_168, %add3A_218 : i32
    %multiple_of3A_220 = tpu.assume_multiple %add3A_219, 8 : i32
    %get3A_221 = arith.index_cast %multiple_of3A_220 : i32 to index
    %get3A_222 = arith.constant 0 : index
    %get3A_223 = vector.load %arg2[%get3A_221, %get3A_222] : memref<2624x1024xf32, #tpu.memory_space<vmem>>, vector<64x1024xf32>
    %slice3A_224 = vector.extract_strided_slice %get3A_223 {offsets = [0, 0], sizes = [64, 512], strides = [1, 1]} : vector<64x1024xf32> to vector<64x512xf32>
    %dot_general3A_225 = arith.constant dense<0.000000e+00> : vector<64x64xf32>
    %dot_general3A_226 = tpu.matmul %slice3A_224, %get3A_179, %dot_general3A_225 {dimension_numbers = #tpu.dot_dimension_numbers<[1], [0], [0], [1], [0, 0, 1, 1], [], []>, transpose_lhs_hint = false} : vector<64x512xf32>, vector<512x64xf32>, vector<64x64xf32> -> vector<64x64xf32>
    %slice3A_227 = vector.extract_strided_slice %get3A_223 {offsets = [0, 512], sizes = [64, 512], strides = [1, 1]} : vector<64x1024xf32> to vector<64x512xf32>
    %dot_general3A_228 = arith.constant dense<0.000000e+00> : vector<64x64xf32>
    %dot_general3A_229 = tpu.matmul %slice3A_227, %get3A_184, %dot_general3A_228 {dimension_numbers = #tpu.dot_dimension_numbers<[1], [0], [0], [1], [0, 0, 1, 1], [], []>, transpose_lhs_hint = false} : vector<64x512xf32>, vector<512x64xf32>, vector<64x64xf32> -> vector<64x64xf32>
    %add3A_230 = arith.addf %dot_general3A_226, %dot_general3A_229 : vector<64x64xf32>
    %max3A_231 = arith.constant 0.000000e+00 : f32
    %max3A_232 = vector.broadcast %max3A_231 : f32 to vector<64x64xf32>
    %max3A_233 = arith.maximumf %add3A_230, %max3A_232 : vector<64x64xf32>
    %mul3A_234 = arith.mulf %max3A_233, %max3A_233 : vector<64x64xf32>
    %dot_general3A_235 = arith.constant dense<0.000000e+00> : vector<64x1024xf32>
    %dot_general3A_236 = tpu.matmul %mul3A_234, %get3A_189, %dot_general3A_235 {dimension_numbers = #tpu.dot_dimension_numbers<[1], [0], [0], [1], [0, 0, 1, 1], [], []>, transpose_lhs_hint = false} : vector<64x64xf32>, vector<64x1024xf32>, vector<64x1024xf32> -> vector<64x1024xf32>
    %swap3A_237 = arith.index_cast %multiple_of3A_220 : i32 to index
    %swap3A_238 = arith.constant 0 : index
    %swap3A_239 = vector.load %arg6[%swap3A_237, %swap3A_238] : memref<2624x1024xf32, #tpu.memory_space<vmem>>, vector<64x1024xf32>
    tpu.vector_store %arg6[%swap3A_237, %swap3A_238], %dot_general3A_236 {strides = array<i32>} : memref<2624x1024xf32, #tpu.memory_space<vmem>>, vector<64x1024xf32>,
    %while3A_240 = arith.constant 0 : i32
    %while3A_241 = arith.constant 1 : i32
    %while3A_242 = arith.subi %select_n3A_217, %while3A_241 : i32
    %while3A_243 = arith.addi %while3A_241, %while3A_242 : i32
    %while3A_244 = arith.constant 1 : i32
    %while3A_245 = arith.divsi %while3A_242, %while3A_244 : i32
    %while3A_246 = arith.muli %while3A_245, %while3A_244 : i32
    %while3A_247 = arith.addi %while3A_241, %while3A_246 : i32
    %while3A_248 = arith.constant 1 : i32
    scf.for %while3A_695 = %while3A_241 to %while3A_247 step %while3A_248  : i32 {
      %mul3A_696 = arith.constant 64 : i32
      %mul3A_697 = arith.muli %while3A_695, %mul3A_696 : i32
      %add3A_698 = arith.addi %get3A_168, %mul3A_697 : i32
      %multiple_of3A_699 = tpu.assume_multiple %add3A_698, 8 : i32
      %get3A_700 = arith.index_cast %multiple_of3A_699 : i32 to index
      %get3A_701 = arith.constant 0 : index
      %get3A_702 = vector.load %arg2[%get3A_700, %get3A_701] : memref<2624x1024xf32, #tpu.memory_space<vmem>>, vector<64x1024xf32>
      %slice3A_703 = vector.extract_strided_slice %get3A_702 {offsets = [0, 0], sizes = [64, 512], strides = [1, 1]} : vector<64x1024xf32> to vector<64x512xf32>
      %dot_general3A_704 = arith.constant dense<0.000000e+00> : vector<64x64xf32>
      %dot_general3A_705 = tpu.matmul %slice3A_703, %get3A_179, %dot_general3A_704 {dimension_numbers = #tpu.dot_dimension_numbers<[1], [0], [0], [1], [0, 0, 1, 1], [], []>, transpose_lhs_hint = false} : vector<64x512xf32>, vector<512x64xf32>, vector<64x64xf32> -> vector<64x64xf32>
      %slice3A_706 = vector.extract_strided_slice %get3A_702 {offsets = [0, 512], sizes = [64, 512], strides = [1, 1]} : vector<64x1024xf32> to vector<64x512xf32>
      %dot_general3A_707 = arith.constant dense<0.000000e+00> : vector<64x64xf32>
      %dot_general3A_708 = tpu.matmul %slice3A_706, %get3A_184, %dot_general3A_707 {dimension_numbers = #tpu.dot_dimension_numbers<[1], [0], [0], [1], [0, 0, 1, 1], [], []>, transpose_lhs_hint = false} : vector<64x512xf32>, vector<512x64xf32>, vector<64x64xf32> -> vector<64x64xf32>
      %add3A_709 = arith.addf %dot_general3A_705, %dot_general3A_708 : vector<64x64xf32>
      %max3A_710 = arith.constant 0.000000e+00 : f32
      %max3A_711 = vector.broadcast %max3A_710 : f32 to vector<64x64xf32>
      %max3A_712 = arith.maximumf %add3A_709, %max3A_711 : vector<64x64xf32>
      %mul3A_713 = arith.mulf %max3A_712, %max3A_712 : vector<64x64xf32>
      %dot_general3A_714 = arith.constant dense<0.000000e+00> : vector<64x1024xf32>
      %dot_general3A_715 = tpu.matmul %mul3A_713, %get3A_189, %dot_general3A_714 {dimension_numbers = #tpu.dot_dimension_numbers<[1], [0], [0], [1], [0, 0, 1, 1], [], []>, transpose_lhs_hint = false} : vector<64x64xf32>, vector<64x1024xf32>, vector<64x1024xf32> -> vector<64x1024xf32>
      %swap3A_716 = arith.index_cast %multiple_of3A_699 : i32 to index
      %swap3A_717 = arith.constant 0 : index
      %swap3A_718 = vector.load %arg6[%swap3A_716, %swap3A_717] : memref<2624x1024xf32, #tpu.memory_space<vmem>>, vector<64x1024xf32>
      tpu.vector_store %arg6[%swap3A_716, %swap3A_717], %dot_general3A_715 {strides = array<i32>} : memref<2624x1024xf32, #tpu.memory_space<vmem>>, vector<64x1024xf32>,
    }
    %while3A_249 = arith.constant 1 : i32
    scf.for %while3A_695 = %while3A_247 to %while3A_243 step %while3A_249  : i32 {
      %mul3A_696 = arith.constant 64 : i32
      %mul3A_697 = arith.muli %while3A_695, %mul3A_696 : i32
      %add3A_698 = arith.addi %get3A_168, %mul3A_697 : i32
      %multiple_of3A_699 = tpu.assume_multiple %add3A_698, 8 : i32
      %get3A_700 = arith.index_cast %multiple_of3A_699 : i32 to index
      %get3A_701 = arith.constant 0 : index
      %get3A_702 = vector.load %arg2[%get3A_700, %get3A_701] : memref<2624x1024xf32, #tpu.memory_space<vmem>>, vector<64x1024xf32>
      %slice3A_703 = vector.extract_strided_slice %get3A_702 {offsets = [0, 0], sizes = [64, 512], strides = [1, 1]} : vector<64x1024xf32> to vector<64x512xf32>
      %dot_general3A_704 = arith.constant dense<0.000000e+00> : vector<64x64xf32>
      %dot_general3A_705 = tpu.matmul %slice3A_703, %get3A_179, %dot_general3A_704 {dimension_numbers = #tpu.dot_dimension_numbers<[1], [0], [0], [1], [0, 0, 1, 1], [], []>, transpose_lhs_hint = false} : vector<64x512xf32>, vector<512x64xf32>, vector<64x64xf32> -> vector<64x64xf32>
      %slice3A_706 = vector.extract_strided_slice %get3A_702 {offsets = [0, 512], sizes = [64, 512], strides = [1, 1]} : vector<64x1024xf32> to vector<64x512xf32>
      %dot_general3A_707 = arith.constant dense<0.000000e+00> : vector<64x64xf32>
      %dot_general3A_708 = tpu.matmul %slice3A_706, %get3A_184, %dot_general3A_707 {dimension_numbers = #tpu.dot_dimension_numbers<[1], [0], [0], [1], [0, 0, 1, 1], [], []>, transpose_lhs_hint = false} : vector<64x512xf32>, vector<512x64xf32>, vector<64x64xf32> -> vector<64x64xf32>
      %add3A_709 = arith.addf %dot_general3A_705, %dot_general3A_708 : vector<64x64xf32>
      %max3A_710 = arith.constant 0.000000e+00 : f32
      %max3A_711 = vector.broadcast %max3A_710 : f32 to vector<64x64xf32>
      %max3A_712 = arith.maximumf %add3A_709, %max3A_711 : vector<64x64xf32>
      %mul3A_713 = arith.mulf %max3A_712, %max3A_712 : vector<64x64xf32>
      %dot_general3A_714 = arith.constant dense<0.000000e+00> : vector<64x1024xf32>
      %dot_general3A_715 = tpu.matmul %mul3A_713, %get3A_189, %dot_general3A_714 {dimension_numbers = #tpu.dot_dimension_numbers<[1], [0], [0], [1], [0, 0, 1, 1], [], []>, transpose_lhs_hint = false} : vector<64x64xf32>, vector<64x1024xf32>, vector<64x1024xf32> -> vector<64x1024xf32>
      %swap3A_716 = arith.index_cast %multiple_of3A_699 : i32 to index
      %swap3A_717 = arith.constant 0 : index
      %swap3A_718 = vector.load %arg6[%swap3A_716, %swap3A_717] : memref<2624x1024xf32, #tpu.memory_space<vmem>>, vector<64x1024xf32>
      tpu.vector_store %arg6[%swap3A_716, %swap3A_717], %dot_general3A_715 {strides = array<i32>} : memref<2624x1024xf32, #tpu.memory_space<vmem>>, vector<64x1024xf32>,
    }
    %mul3A_250 = arith.constant 8 : i32
    %mul3A_251 = arith.muli %arg0, %mul3A_250 : i32
    %add3A_252 = arith.constant 3 : i32
    %add3A_253 = arith.addi %mul3A_251, %add3A_252 : i32
    %mul3A_254 = arith.constant 2 : i32
    %mul3A_255 = arith.muli %mul3A_254, %add3A_253 : i32
    %get3A_256 = arith.index_cast %mul3A_255 : i32 to index
    %get3A_257 = memref.load %arg1[%get3A_256] : memref<128xi32, #tpu.memory_space<smem>>
    %mul3A_258 = arith.constant 2 : i32
    %mul3A_259 = arith.muli %mul3A_258, %add3A_253 : i32
    %add3A_260 = arith.constant 1 : i32
    %add3A_261 = arith.addi %mul3A_259, %add3A_260 : i32
    %get3A_262 = arith.index_cast %add3A_261 : i32 to index
    %get3A_263 = memref.load %arg1[%get3A_262] : memref<128xi32, #tpu.memory_space<smem>>
    %get3A_264 = arith.constant 3 : index
    %get3A_265 = arith.constant 0 : index
    %get3A_266 = arith.constant 0 : index
    %get3A_267 = vector.load %arg3[%get3A_264, %get3A_265, %get3A_266] : memref<8x512x64xf32, #tpu.memory_space<vmem>>, vector<1x512x64xf32>
    %get3A_268 = vector.shape_cast %get3A_267 : vector<1x512x64xf32> to vector<512x64xf32>
    %get3A_269 = arith.constant 3 : index
    %get3A_270 = arith.constant 0 : index
    %get3A_271 = arith.constant 0 : index
    %get3A_272 = vector.load %arg4[%get3A_269, %get3A_270, %get3A_271] : memref<8x512x64xf32, #tpu.memory_space<vmem>>, vector<1x512x64xf32>
    %get3A_273 = vector.shape_cast %get3A_272 : vector<1x512x64xf32> to vector<512x64xf32>
    %get3A_274 = arith.constant 3 : index
    %get3A_275 = arith.constant 0 : index
    %get3A_276 = arith.constant 0 : index
    %get3A_277 = vector.load %arg5[%get3A_274, %get3A_275, %get3A_276] : memref<8x64x1024xf32, #tpu.memory_space<vmem>>, vector<1x64x1024xf32>
    %get3A_278 = vector.shape_cast %get3A_277 : vector<1x64x1024xf32> to vector<64x1024xf32>
    %add3A_279 = arith.constant 64 : i32
    %add3A_280 = arith.addi %get3A_263, %add3A_279 : i32
    %sub3A_281 = arith.constant 1 : i32
    %sub3A_282 = arith.subi %add3A_280, %sub3A_281 : i32
    %jit3A_283 = arith.constant 64 : i32
    %div3A_284 = arith.divsi %sub3A_282, %jit3A_283 : i32
    %sign3A_285 = arith.constant 0 : i32
    %sign3A_286 = arith.cmpi sgt, %sub3A_282, %sign3A_285 : i32
    %sign3A_287 = arith.extui %sign3A_286 : i1 to i32
    %sign3A_288 = arith.constant 0 : i32
    %sign3A_289 = arith.cmpi slt, %sub3A_282, %sign3A_288 : i32
    %sign3A_290 = arith.extui %sign3A_289 : i1 to i32
    %sign3A_291 = arith.subi %sign3A_287, %sign3A_290 : i32
    %sign3A_292 = arith.constant 0 : i32
    %sign3A_293 = arith.cmpi sgt, %jit3A_283, %sign3A_292 : i32
    %sign3A_294 = arith.extui %sign3A_293 : i1 to i32
    %sign3A_295 = arith.constant 0 : i32
    %sign3A_296 = arith.cmpi slt, %jit3A_283, %sign3A_295 : i32
    %sign3A_297 = arith.extui %sign3A_296 : i1 to i32
    %sign3A_298 = arith.subi %sign3A_294, %sign3A_297 : i32
    %ne3A_299 = arith.cmpi ne, %sign3A_291, %sign3A_298 : i32
    %rem3A_300 = arith.remsi %sub3A_282, %jit3A_283 : i32
    %ne3A_301 = arith.constant 0 : i32
    %ne3A_302 = arith.cmpi ne, %rem3A_300, %ne3A_301 : i32
    %and3A_303 = arith.andi %ne3A_299, %ne3A_302 : i1
    %sub3A_304 = arith.constant 1 : i32
    %sub3A_305 = arith.subi %div3A_284, %sub3A_304 : i32
    %select_n3A_306 = arith.select %and3A_303, %sub3A_305, %div3A_284 : i32
    %add3A_307 = arith.constant 0 : i32
    %add3A_308 = arith.addi %get3A_257, %add3A_307 : i32
    %multiple_of3A_309 = tpu.assume_multiple %add3A_308, 8 : i32
    %get3A_310 = arith.index_cast %multiple_of3A_309 : i32 to index
    %get3A_311 = arith.constant 0 : index
    %get3A_312 = vector.load %arg2[%get3A_310, %get3A_311] : memref<2624x1024xf32, #tpu.memory_space<vmem>>, vector<64x1024xf32>
    %slice3A_313 = vector.extract_strided_slice %get3A_312 {offsets = [0, 0], sizes = [64, 512], strides = [1, 1]} : vector<64x1024xf32> to vector<64x512xf32>
    %dot_general3A_314 = arith.constant dense<0.000000e+00> : vector<64x64xf32>
    %dot_general3A_315 = tpu.matmul %slice3A_313, %get3A_268, %dot_general3A_314 {dimension_numbers = #tpu.dot_dimension_numbers<[1], [0], [0], [1], [0, 0, 1, 1], [], []>, transpose_lhs_hint = false} : vector<64x512xf32>, vector<512x64xf32>, vector<64x64xf32> -> vector<64x64xf32>
    %slice3A_316 = vector.extract_strided_slice %get3A_312 {offsets = [0, 512], sizes = [64, 512], strides = [1, 1]} : vector<64x1024xf32> to vector<64x512xf32>
    %dot_general3A_317 = arith.constant dense<0.000000e+00> : vector<64x64xf32>
    %dot_general3A_318 = tpu.matmul %slice3A_316, %get3A_273, %dot_general3A_317 {dimension_numbers = #tpu.dot_dimension_numbers<[1], [0], [0], [1], [0, 0, 1, 1], [], []>, transpose_lhs_hint = false} : vector<64x512xf32>, vector<512x64xf32>, vector<64x64xf32> -> vector<64x64xf32>
    %add3A_319 = arith.addf %dot_general3A_315, %dot_general3A_318 : vector<64x64xf32>
    %max3A_320 = arith.constant 0.000000e+00 : f32
    %max3A_321 = vector.broadcast %max3A_320 : f32 to vector<64x64xf32>
    %max3A_322 = arith.maximumf %add3A_319, %max3A_321 : vector<64x64xf32>
    %mul3A_323 = arith.mulf %max3A_322, %max3A_322 : vector<64x64xf32>
    %dot_general3A_324 = arith.constant dense<0.000000e+00> : vector<64x1024xf32>
    %dot_general3A_325 = tpu.matmul %mul3A_323, %get3A_278, %dot_general3A_324 {dimension_numbers = #tpu.dot_dimension_numbers<[1], [0], [0], [1], [0, 0, 1, 1], [], []>, transpose_lhs_hint = false} : vector<64x64xf32>, vector<64x1024xf32>, vector<64x1024xf32> -> vector<64x1024xf32>
    %swap3A_326 = arith.index_cast %multiple_of3A_309 : i32 to index
    %swap3A_327 = arith.constant 0 : index
    %swap3A_328 = vector.load %arg6[%swap3A_326, %swap3A_327] : memref<2624x1024xf32, #tpu.memory_space<vmem>>, vector<64x1024xf32>
    tpu.vector_store %arg6[%swap3A_326, %swap3A_327], %dot_general3A_325 {strides = array<i32>} : memref<2624x1024xf32, #tpu.memory_space<vmem>>, vector<64x1024xf32>,
    %while3A_329 = arith.constant 0 : i32
    %while3A_330 = arith.constant 1 : i32
    %while3A_331 = arith.subi %select_n3A_306, %while3A_330 : i32
    %while3A_332 = arith.addi %while3A_330, %while3A_331 : i32
    %while3A_333 = arith.constant 1 : i32
    %while3A_334 = arith.divsi %while3A_331, %while3A_333 : i32
    %while3A_335 = arith.muli %while3A_334, %while3A_333 : i32
    %while3A_336 = arith.addi %while3A_330, %while3A_335 : i32
    %while3A_337 = arith.constant 1 : i32
    scf.for %while3A_695 = %while3A_330 to %while3A_336 step %while3A_337  : i32 {
      %mul3A_696 = arith.constant 64 : i32
      %mul3A_697 = arith.muli %while3A_695, %mul3A_696 : i32
      %add3A_698 = arith.addi %get3A_257, %mul3A_697 : i32
      %multiple_of3A_699 = tpu.assume_multiple %add3A_698, 8 : i32
      %get3A_700 = arith.index_cast %multiple_of3A_699 : i32 to index
      %get3A_701 = arith.constant 0 : index
      %get3A_702 = vector.load %arg2[%get3A_700, %get3A_701] : memref<2624x1024xf32, #tpu.memory_space<vmem>>, vector<64x1024xf32>
      %slice3A_703 = vector.extract_strided_slice %get3A_702 {offsets = [0, 0], sizes = [64, 512], strides = [1, 1]} : vector<64x1024xf32> to vector<64x512xf32>
      %dot_general3A_704 = arith.constant dense<0.000000e+00> : vector<64x64xf32>
      %dot_general3A_705 = tpu.matmul %slice3A_703, %get3A_268, %dot_general3A_704 {dimension_numbers = #tpu.dot_dimension_numbers<[1], [0], [0], [1], [0, 0, 1, 1], [], []>, transpose_lhs_hint = false} : vector<64x512xf32>, vector<512x64xf32>, vector<64x64xf32> -> vector<64x64xf32>
      %slice3A_706 = vector.extract_strided_slice %get3A_702 {offsets = [0, 512], sizes = [64, 512], strides = [1, 1]} : vector<64x1024xf32> to vector<64x512xf32>
      %dot_general3A_707 = arith.constant dense<0.000000e+00> : vector<64x64xf32>
      %dot_general3A_708 = tpu.matmul %slice3A_706, %get3A_273, %dot_general3A_707 {dimension_numbers = #tpu.dot_dimension_numbers<[1], [0], [0], [1], [0, 0, 1, 1], [], []>, transpose_lhs_hint = false} : vector<64x512xf32>, vector<512x64xf32>, vector<64x64xf32> -> vector<64x64xf32>
      %add3A_709 = arith.addf %dot_general3A_705, %dot_general3A_708 : vector<64x64xf32>
      %max3A_710 = arith.constant 0.000000e+00 : f32
      %max3A_711 = vector.broadcast %max3A_710 : f32 to vector<64x64xf32>
      %max3A_712 = arith.maximumf %add3A_709, %max3A_711 : vector<64x64xf32>
      %mul3A_713 = arith.mulf %max3A_712, %max3A_712 : vector<64x64xf32>
      %dot_general3A_714 = arith.constant dense<0.000000e+00> : vector<64x1024xf32>
      %dot_general3A_715 = tpu.matmul %mul3A_713, %get3A_278, %dot_general3A_714 {dimension_numbers = #tpu.dot_dimension_numbers<[1], [0], [0], [1], [0, 0, 1, 1], [], []>, transpose_lhs_hint = false} : vector<64x64xf32>, vector<64x1024xf32>, vector<64x1024xf32> -> vector<64x1024xf32>
      %swap3A_716 = arith.index_cast %multiple_of3A_699 : i32 to index
      %swap3A_717 = arith.constant 0 : index
      %swap3A_718 = vector.load %arg6[%swap3A_716, %swap3A_717] : memref<2624x1024xf32, #tpu.memory_space<vmem>>, vector<64x1024xf32>
      tpu.vector_store %arg6[%swap3A_716, %swap3A_717], %dot_general3A_715 {strides = array<i32>} : memref<2624x1024xf32, #tpu.memory_space<vmem>>, vector<64x1024xf32>,
    }
    %while3A_338 = arith.constant 1 : i32
    scf.for %while3A_695 = %while3A_336 to %while3A_332 step %while3A_338  : i32 {
      %mul3A_696 = arith.constant 64 : i32
      %mul3A_697 = arith.muli %while3A_695, %mul3A_696 : i32
      %add3A_698 = arith.addi %get3A_257, %mul3A_697 : i32
      %multiple_of3A_699 = tpu.assume_multiple %add3A_698, 8 : i32
      %get3A_700 = arith.index_cast %multiple_of3A_699 : i32 to index
      %get3A_701 = arith.constant 0 : index
      %get3A_702 = vector.load %arg2[%get3A_700, %get3A_701] : memref<2624x1024xf32, #tpu.memory_space<vmem>>, vector<64x1024xf32>
      %slice3A_703 = vector.extract_strided_slice %get3A_702 {offsets = [0, 0], sizes = [64, 512], strides = [1, 1]} : vector<64x1024xf32> to vector<64x512xf32>
      %dot_general3A_704 = arith.constant dense<0.000000e+00> : vector<64x64xf32>
      %dot_general3A_705 = tpu.matmul %slice3A_703, %get3A_268, %dot_general3A_704 {dimension_numbers = #tpu.dot_dimension_numbers<[1], [0], [0], [1], [0, 0, 1, 1], [], []>, transpose_lhs_hint = false} : vector<64x512xf32>, vector<512x64xf32>, vector<64x64xf32> -> vector<64x64xf32>
      %slice3A_706 = vector.extract_strided_slice %get3A_702 {offsets = [0, 512], sizes = [64, 512], strides = [1, 1]} : vector<64x1024xf32> to vector<64x512xf32>
      %dot_general3A_707 = arith.constant dense<0.000000e+00> : vector<64x64xf32>
      %dot_general3A_708 = tpu.matmul %slice3A_706, %get3A_273, %dot_general3A_707 {dimension_numbers = #tpu.dot_dimension_numbers<[1], [0], [0], [1], [0, 0, 1, 1], [], []>, transpose_lhs_hint = false} : vector<64x512xf32>, vector<512x64xf32>, vector<64x64xf32> -> vector<64x64xf32>
      %add3A_709 = arith.addf %dot_general3A_705, %dot_general3A_708 : vector<64x64xf32>
      %max3A_710 = arith.constant 0.000000e+00 : f32
      %max3A_711 = vector.broadcast %max3A_710 : f32 to vector<64x64xf32>
      %max3A_712 = arith.maximumf %add3A_709, %max3A_711 : vector<64x64xf32>
      %mul3A_713 = arith.mulf %max3A_712, %max3A_712 : vector<64x64xf32>
      %dot_general3A_714 = arith.constant dense<0.000000e+00> : vector<64x1024xf32>
      %dot_general3A_715 = tpu.matmul %mul3A_713, %get3A_278, %dot_general3A_714 {dimension_numbers = #tpu.dot_dimension_numbers<[1], [0], [0], [1], [0, 0, 1, 1], [], []>, transpose_lhs_hint = false} : vector<64x64xf32>, vector<64x1024xf32>, vector<64x1024xf32> -> vector<64x1024xf32>
      %swap3A_716 = arith.index_cast %multiple_of3A_699 : i32 to index
      %swap3A_717 = arith.constant 0 : index
      %swap3A_718 = vector.load %arg6[%swap3A_716, %swap3A_717] : memref<2624x1024xf32, #tpu.memory_space<vmem>>, vector<64x1024xf32>
      tpu.vector_store %arg6[%swap3A_716, %swap3A_717], %dot_general3A_715 {strides = array<i32>} : memref<2624x1024xf32, #tpu.memory_space<vmem>>, vector<64x1024xf32>,
    }
    %mul3A_339 = arith.constant 8 : i32
    %mul3A_340 = arith.muli %arg0, %mul3A_339 : i32
    %add3A_341 = arith.constant 4 : i32
    %add3A_342 = arith.addi %mul3A_340, %add3A_341 : i32
    %mul3A_343 = arith.constant 2 : i32
    %mul3A_344 = arith.muli %mul3A_343, %add3A_342 : i32
    %get3A_345 = arith.index_cast %mul3A_344 : i32 to index
    %get3A_346 = memref.load %arg1[%get3A_345] : memref<128xi32, #tpu.memory_space<smem>>
    %mul3A_347 = arith.constant 2 : i32
    %mul3A_348 = arith.muli %mul3A_347, %add3A_342 : i32
    %add3A_349 = arith.constant 1 : i32
    %add3A_350 = arith.addi %mul3A_348, %add3A_349 : i32
    %get3A_351 = arith.index_cast %add3A_350 : i32 to index
    %get3A_352 = memref.load %arg1[%get3A_351] : memref<128xi32, #tpu.memory_space<smem>>
    %get3A_353 = arith.constant 4 : index
    %get3A_354 = arith.constant 0 : index
    %get3A_355 = arith.constant 0 : index
    %get3A_356 = vector.load %arg3[%get3A_353, %get3A_354, %get3A_355] : memref<8x512x64xf32, #tpu.memory_space<vmem>>, vector<1x512x64xf32>
    %get3A_357 = vector.shape_cast %get3A_356 : vector<1x512x64xf32> to vector<512x64xf32>
    %get3A_358 = arith.constant 4 : index
    %get3A_359 = arith.constant 0 : index
    %get3A_360 = arith.constant 0 : index
    %get3A_361 = vector.load %arg4[%get3A_358, %get3A_359, %get3A_360] : memref<8x512x64xf32, #tpu.memory_space<vmem>>, vector<1x512x64xf32>
    %get3A_362 = vector.shape_cast %get3A_361 : vector<1x512x64xf32> to vector<512x64xf32>
    %get3A_363 = arith.constant 4 : index
    %get3A_364 = arith.constant 0 : index
    %get3A_365 = arith.constant 0 : index
    %get3A_366 = vector.load %arg5[%get3A_363, %get3A_364, %get3A_365] : memref<8x64x1024xf32, #tpu.memory_space<vmem>>, vector<1x64x1024xf32>
    %get3A_367 = vector.shape_cast %get3A_366 : vector<1x64x1024xf32> to vector<64x1024xf32>
    %add3A_368 = arith.constant 64 : i32
    %add3A_369 = arith.addi %get3A_352, %add3A_368 : i32
    %sub3A_370 = arith.constant 1 : i32
    %sub3A_371 = arith.subi %add3A_369, %sub3A_370 : i32
    %jit3A_372 = arith.constant 64 : i32
    %div3A_373 = arith.divsi %sub3A_371, %jit3A_372 : i32
    %sign3A_374 = arith.constant 0 : i32
    %sign3A_375 = arith.cmpi sgt, %sub3A_371, %sign3A_374 : i32
    %sign3A_376 = arith.extui %sign3A_375 : i1 to i32
    %sign3A_377 = arith.constant 0 : i32
    %sign3A_378 = arith.cmpi slt, %sub3A_371, %sign3A_377 : i32
    %sign3A_379 = arith.extui %sign3A_378 : i1 to i32
    %sign3A_380 = arith.subi %sign3A_376, %sign3A_379 : i32
    %sign3A_381 = arith.constant 0 : i32
    %sign3A_382 = arith.cmpi sgt, %jit3A_372, %sign3A_381 : i32
    %sign3A_383 = arith.extui %sign3A_382 : i1 to i32
    %sign3A_384 = arith.constant 0 : i32
    %sign3A_385 = arith.cmpi slt, %jit3A_372, %sign3A_384 : i32
    %sign3A_386 = arith.extui %sign3A_385 : i1 to i32
    %sign3A_387 = arith.subi %sign3A_383, %sign3A_386 : i32
    %ne3A_388 = arith.cmpi ne, %sign3A_380, %sign3A_387 : i32
    %rem3A_389 = arith.remsi %sub3A_371, %jit3A_372 : i32
    %ne3A_390 = arith.constant 0 : i32
    %ne3A_391 = arith.cmpi ne, %rem3A_389, %ne3A_390 : i32
    %and3A_392 = arith.andi %ne3A_388, %ne3A_391 : i1
    %sub3A_393 = arith.constant 1 : i32
    %sub3A_394 = arith.subi %div3A_373, %sub3A_393 : i32
    %select_n3A_395 = arith.select %and3A_392, %sub3A_394, %div3A_373 : i32
    %add3A_396 = arith.constant 0 : i32
    %add3A_397 = arith.addi %get3A_346, %add3A_396 : i32
    %multiple_of3A_398 = tpu.assume_multiple %add3A_397, 8 : i32
    %get3A_399 = arith.index_cast %multiple_of3A_398 : i32 to index
    %get3A_400 = arith.constant 0 : index
    %get3A_401 = vector.load %arg2[%get3A_399, %get3A_400] : memref<2624x1024xf32, #tpu.memory_space<vmem>>, vector<64x1024xf32>
    %slice3A_402 = vector.extract_strided_slice %get3A_401 {offsets = [0, 0], sizes = [64, 512], strides = [1, 1]} : vector<64x1024xf32> to vector<64x512xf32>
    %dot_general3A_403 = arith.constant dense<0.000000e+00> : vector<64x64xf32>
    %dot_general3A_404 = tpu.matmul %slice3A_402, %get3A_357, %dot_general3A_403 {dimension_numbers = #tpu.dot_dimension_numbers<[1], [0], [0], [1], [0, 0, 1, 1], [], []>, transpose_lhs_hint = false} : vector<64x512xf32>, vector<512x64xf32>, vector<64x64xf32> -> vector<64x64xf32>
    %slice3A_405 = vector.extract_strided_slice %get3A_401 {offsets = [0, 512], sizes = [64, 512], strides = [1, 1]} : vector<64x1024xf32> to vector<64x512xf32>
    %dot_general3A_406 = arith.constant dense<0.000000e+00> : vector<64x64xf32>
    %dot_general3A_407 = tpu.matmul %slice3A_405, %get3A_362, %dot_general3A_406 {dimension_numbers = #tpu.dot_dimension_numbers<[1], [0], [0], [1], [0, 0, 1, 1], [], []>, transpose_lhs_hint = false} : vector<64x512xf32>, vector<512x64xf32>, vector<64x64xf32> -> vector<64x64xf32>
    %add3A_408 = arith.addf %dot_general3A_404, %dot_general3A_407 : vector<64x64xf32>
    %max3A_409 = arith.constant 0.000000e+00 : f32
    %max3A_410 = vector.broadcast %max3A_409 : f32 to vector<64x64xf32>
    %max3A_411 = arith.maximumf %add3A_408, %max3A_410 : vector<64x64xf32>
    %mul3A_412 = arith.mulf %max3A_411, %max3A_411 : vector<64x64xf32>
    %dot_general3A_413 = arith.constant dense<0.000000e+00> : vector<64x1024xf32>
    %dot_general3A_414 = tpu.matmul %mul3A_412, %get3A_367, %dot_general3A_413 {dimension_numbers = #tpu.dot_dimension_numbers<[1], [0], [0], [1], [0, 0, 1, 1], [], []>, transpose_lhs_hint = false} : vector<64x64xf32>, vector<64x1024xf32>, vector<64x1024xf32> -> vector<64x1024xf32>
    %swap3A_415 = arith.index_cast %multiple_of3A_398 : i32 to index
    %swap3A_416 = arith.constant 0 : index
    %swap3A_417 = vector.load %arg6[%swap3A_415, %swap3A_416] : memref<2624x1024xf32, #tpu.memory_space<vmem>>, vector<64x1024xf32>
    tpu.vector_store %arg6[%swap3A_415, %swap3A_416], %dot_general3A_414 {strides = array<i32>} : memref<2624x1024xf32, #tpu.memory_space<vmem>>, vector<64x1024xf32>,
    %while3A_418 = arith.constant 0 : i32
    %while3A_419 = arith.constant 1 : i32
    %while3A_420 = arith.subi %select_n3A_395, %while3A_419 : i32
    %while3A_421 = arith.addi %while3A_419, %while3A_420 : i32
    %while3A_422 = arith.constant 1 : i32
    %while3A_423 = arith.divsi %while3A_420, %while3A_422 : i32
    %while3A_424 = arith.muli %while3A_423, %while3A_422 : i32
    %while3A_425 = arith.addi %while3A_419, %while3A_424 : i32
    %while3A_426 = arith.constant 1 : i32
    scf.for %while3A_695 = %while3A_419 to %while3A_425 step %while3A_426  : i32 {
      %mul3A_696 = arith.constant 64 : i32
      %mul3A_697 = arith.muli %while3A_695, %mul3A_696 : i32
      %add3A_698 = arith.addi %get3A_346, %mul3A_697 : i32
      %multiple_of3A_699 = tpu.assume_multiple %add3A_698, 8 : i32
      %get3A_700 = arith.index_cast %multiple_of3A_699 : i32 to index
      %get3A_701 = arith.constant 0 : index
      %get3A_702 = vector.load %arg2[%get3A_700, %get3A_701] : memref<2624x1024xf32, #tpu.memory_space<vmem>>, vector<64x1024xf32>
      %slice3A_703 = vector.extract_strided_slice %get3A_702 {offsets = [0, 0], sizes = [64, 512], strides = [1, 1]} : vector<64x1024xf32> to vector<64x512xf32>
      %dot_general3A_704 = arith.constant dense<0.000000e+00> : vector<64x64xf32>
      %dot_general3A_705 = tpu.matmul %slice3A_703, %get3A_357, %dot_general3A_704 {dimension_numbers = #tpu.dot_dimension_numbers<[1], [0], [0], [1], [0, 0, 1, 1], [], []>, transpose_lhs_hint = false} : vector<64x512xf32>, vector<512x64xf32>, vector<64x64xf32> -> vector<64x64xf32>
      %slice3A_706 = vector.extract_strided_slice %get3A_702 {offsets = [0, 512], sizes = [64, 512], strides = [1, 1]} : vector<64x1024xf32> to vector<64x512xf32>
      %dot_general3A_707 = arith.constant dense<0.000000e+00> : vector<64x64xf32>
      %dot_general3A_708 = tpu.matmul %slice3A_706, %get3A_362, %dot_general3A_707 {dimension_numbers = #tpu.dot_dimension_numbers<[1], [0], [0], [1], [0, 0, 1, 1], [], []>, transpose_lhs_hint = false} : vector<64x512xf32>, vector<512x64xf32>, vector<64x64xf32> -> vector<64x64xf32>
      %add3A_709 = arith.addf %dot_general3A_705, %dot_general3A_708 : vector<64x64xf32>
      %max3A_710 = arith.constant 0.000000e+00 : f32
      %max3A_711 = vector.broadcast %max3A_710 : f32 to vector<64x64xf32>
      %max3A_712 = arith.maximumf %add3A_709, %max3A_711 : vector<64x64xf32>
      %mul3A_713 = arith.mulf %max3A_712, %max3A_712 : vector<64x64xf32>
      %dot_general3A_714 = arith.constant dense<0.000000e+00> : vector<64x1024xf32>
      %dot_general3A_715 = tpu.matmul %mul3A_713, %get3A_367, %dot_general3A_714 {dimension_numbers = #tpu.dot_dimension_numbers<[1], [0], [0], [1], [0, 0, 1, 1], [], []>, transpose_lhs_hint = false} : vector<64x64xf32>, vector<64x1024xf32>, vector<64x1024xf32> -> vector<64x1024xf32>
      %swap3A_716 = arith.index_cast %multiple_of3A_699 : i32 to index
      %swap3A_717 = arith.constant 0 : index
      %swap3A_718 = vector.load %arg6[%swap3A_716, %swap3A_717] : memref<2624x1024xf32, #tpu.memory_space<vmem>>, vector<64x1024xf32>
      tpu.vector_store %arg6[%swap3A_716, %swap3A_717], %dot_general3A_715 {strides = array<i32>} : memref<2624x1024xf32, #tpu.memory_space<vmem>>, vector<64x1024xf32>,
    }
    %while3A_427 = arith.constant 1 : i32
    scf.for %while3A_695 = %while3A_425 to %while3A_421 step %while3A_427  : i32 {
      %mul3A_696 = arith.constant 64 : i32
      %mul3A_697 = arith.muli %while3A_695, %mul3A_696 : i32
      %add3A_698 = arith.addi %get3A_346, %mul3A_697 : i32
      %multiple_of3A_699 = tpu.assume_multiple %add3A_698, 8 : i32
      %get3A_700 = arith.index_cast %multiple_of3A_699 : i32 to index
      %get3A_701 = arith.constant 0 : index
      %get3A_702 = vector.load %arg2[%get3A_700, %get3A_701] : memref<2624x1024xf32, #tpu.memory_space<vmem>>, vector<64x1024xf32>
      %slice3A_703 = vector.extract_strided_slice %get3A_702 {offsets = [0, 0], sizes = [64, 512], strides = [1, 1]} : vector<64x1024xf32> to vector<64x512xf32>
      %dot_general3A_704 = arith.constant dense<0.000000e+00> : vector<64x64xf32>
      %dot_general3A_705 = tpu.matmul %slice3A_703, %get3A_357, %dot_general3A_704 {dimension_numbers = #tpu.dot_dimension_numbers<[1], [0], [0], [1], [0, 0, 1, 1], [], []>, transpose_lhs_hint = false} : vector<64x512xf32>, vector<512x64xf32>, vector<64x64xf32> -> vector<64x64xf32>
      %slice3A_706 = vector.extract_strided_slice %get3A_702 {offsets = [0, 512], sizes = [64, 512], strides = [1, 1]} : vector<64x1024xf32> to vector<64x512xf32>
      %dot_general3A_707 = arith.constant dense<0.000000e+00> : vector<64x64xf32>
      %dot_general3A_708 = tpu.matmul %slice3A_706, %get3A_362, %dot_general3A_707 {dimension_numbers = #tpu.dot_dimension_numbers<[1], [0], [0], [1], [0, 0, 1, 1], [], []>, transpose_lhs_hint = false} : vector<64x512xf32>, vector<512x64xf32>, vector<64x64xf32> -> vector<64x64xf32>
      %add3A_709 = arith.addf %dot_general3A_705, %dot_general3A_708 : vector<64x64xf32>
      %max3A_710 = arith.constant 0.000000e+00 : f32
      %max3A_711 = vector.broadcast %max3A_710 : f32 to vector<64x64xf32>
      %max3A_712 = arith.maximumf %add3A_709, %max3A_711 : vector<64x64xf32>
      %mul3A_713 = arith.mulf %max3A_712, %max3A_712 : vector<64x64xf32>
      %dot_general3A_714 = arith.constant dense<0.000000e+00> : vector<64x1024xf32>
      %dot_general3A_715 = tpu.matmul %mul3A_713, %get3A_367, %dot_general3A_714 {dimension_numbers = #tpu.dot_dimension_numbers<[1], [0], [0], [1], [0, 0, 1, 1], [], []>, transpose_lhs_hint = false} : vector<64x64xf32>, vector<64x1024xf32>, vector<64x1024xf32> -> vector<64x1024xf32>
      %swap3A_716 = arith.index_cast %multiple_of3A_699 : i32 to index
      %swap3A_717 = arith.constant 0 : index
      %swap3A_718 = vector.load %arg6[%swap3A_716, %swap3A_717] : memref<2624x1024xf32, #tpu.memory_space<vmem>>, vector<64x1024xf32>
      tpu.vector_store %arg6[%swap3A_716, %swap3A_717], %dot_general3A_715 {strides = array<i32>} : memref<2624x1024xf32, #tpu.memory_space<vmem>>, vector<64x1024xf32>,
    }
    %mul3A_428 = arith.constant 8 : i32
    %mul3A_429 = arith.muli %arg0, %mul3A_428 : i32
    %add3A_430 = arith.constant 5 : i32
    %add3A_431 = arith.addi %mul3A_429, %add3A_430 : i32
    %mul3A_432 = arith.constant 2 : i32
    %mul3A_433 = arith.muli %mul3A_432, %add3A_431 : i32
    %get3A_434 = arith.index_cast %mul3A_433 : i32 to index
    %get3A_435 = memref.load %arg1[%get3A_434] : memref<128xi32, #tpu.memory_space<smem>>
    %mul3A_436 = arith.constant 2 : i32
    %mul3A_437 = arith.muli %mul3A_436, %add3A_431 : i32
    %add3A_438 = arith.constant 1 : i32
    %add3A_439 = arith.addi %mul3A_437, %add3A_438 : i32
    %get3A_440 = arith.index_cast %add3A_439 : i32 to index
    %get3A_441 = memref.load %arg1[%get3A_440] : memref<128xi32, #tpu.memory_space<smem>>
    %get3A_442 = arith.constant 5 : index
    %get3A_443 = arith.constant 0 : index
    %get3A_444 = arith.constant 0 : index
    %get3A_445 = vector.load %arg3[%get3A_442, %get3A_443, %get3A_444] : memref<8x512x64xf32, #tpu.memory_space<vmem>>, vector<1x512x64xf32>
    %get3A_446 = vector.shape_cast %get3A_445 : vector<1x512x64xf32> to vector<512x64xf32>
    %get3A_447 = arith.constant 5 : index
    %get3A_448 = arith.constant 0 : index
    %get3A_449 = arith.constant 0 : index
    %get3A_450 = vector.load %arg4[%get3A_447, %get3A_448, %get3A_449] : memref<8x512x64xf32, #tpu.memory_space<vmem>>, vector<1x512x64xf32>
    %get3A_451 = vector.shape_cast %get3A_450 : vector<1x512x64xf32> to vector<512x64xf32>
    %get3A_452 = arith.constant 5 : index
    %get3A_453 = arith.constant 0 : index
    %get3A_454 = arith.constant 0 : index
    %get3A_455 = vector.load %arg5[%get3A_452, %get3A_453, %get3A_454] : memref<8x64x1024xf32, #tpu.memory_space<vmem>>, vector<1x64x1024xf32>
    %get3A_456 = vector.shape_cast %get3A_455 : vector<1x64x1024xf32> to vector<64x1024xf32>
    %add3A_457 = arith.constant 64 : i32
    %add3A_458 = arith.addi %get3A_441, %add3A_457 : i32
    %sub3A_459 = arith.constant 1 : i32
    %sub3A_460 = arith.subi %add3A_458, %sub3A_459 : i32
    %jit3A_461 = arith.constant 64 : i32
    %div3A_462 = arith.divsi %sub3A_460, %jit3A_461 : i32
    %sign3A_463 = arith.constant 0 : i32
    %sign3A_464 = arith.cmpi sgt, %sub3A_460, %sign3A_463 : i32
    %sign3A_465 = arith.extui %sign3A_464 : i1 to i32
    %sign3A_466 = arith.constant 0 : i32
    %sign3A_467 = arith.cmpi slt, %sub3A_460, %sign3A_466 : i32
    %sign3A_468 = arith.extui %sign3A_467 : i1 to i32
    %sign3A_469 = arith.subi %sign3A_465, %sign3A_468 : i32
    %sign3A_470 = arith.constant 0 : i32
    %sign3A_471 = arith.cmpi sgt, %jit3A_461, %sign3A_470 : i32
    %sign3A_472 = arith.extui %sign3A_471 : i1 to i32
    %sign3A_473 = arith.constant 0 : i32
    %sign3A_474 = arith.cmpi slt, %jit3A_461, %sign3A_473 : i32
    %sign3A_475 = arith.extui %sign3A_474 : i1 to i32
    %sign3A_476 = arith.subi %sign3A_472, %sign3A_475 : i32
    %ne3A_477 = arith.cmpi ne, %sign3A_469, %sign3A_476 : i32
    %rem3A_478 = arith.remsi %sub3A_460, %jit3A_461 : i32
    %ne3A_479 = arith.constant 0 : i32
    %ne3A_480 = arith.cmpi ne, %rem3A_478, %ne3A_479 : i32
    %and3A_481 = arith.andi %ne3A_477, %ne3A_480 : i1
    %sub3A_482 = arith.constant 1 : i32
    %sub3A_483 = arith.subi %div3A_462, %sub3A_482 : i32
    %select_n3A_484 = arith.select %and3A_481, %sub3A_483, %div3A_462 : i32
    %add3A_485 = arith.constant 0 : i32
    %add3A_486 = arith.addi %get3A_435, %add3A_485 : i32
    %multiple_of3A_487 = tpu.assume_multiple %add3A_486, 8 : i32
    %get3A_488 = arith.index_cast %multiple_of3A_487 : i32 to index
    %get3A_489 = arith.constant 0 : index
    %get3A_490 = vector.load %arg2[%get3A_488, %get3A_489] : memref<2624x1024xf32, #tpu.memory_space<vmem>>, vector<64x1024xf32>
    %slice3A_491 = vector.extract_strided_slice %get3A_490 {offsets = [0, 0], sizes = [64, 512], strides = [1, 1]} : vector<64x1024xf32> to vector<64x512xf32>
    %dot_general3A_492 = arith.constant dense<0.000000e+00> : vector<64x64xf32>
    %dot_general3A_493 = tpu.matmul %slice3A_491, %get3A_446, %dot_general3A_492 {dimension_numbers = #tpu.dot_dimension_numbers<[1], [0], [0], [1], [0, 0, 1, 1], [], []>, transpose_lhs_hint = false} : vector<64x512xf32>, vector<512x64xf32>, vector<64x64xf32> -> vector<64x64xf32>
    %slice3A_494 = vector.extract_strided_slice %get3A_490 {offsets = [0, 512], sizes = [64, 512], strides = [1, 1]} : vector<64x1024xf32> to vector<64x512xf32>
    %dot_general3A_495 = arith.constant dense<0.000000e+00> : vector<64x64xf32>
    %dot_general3A_496 = tpu.matmul %slice3A_494, %get3A_451, %dot_general3A_495 {dimension_numbers = #tpu.dot_dimension_numbers<[1], [0], [0], [1], [0, 0, 1, 1], [], []>, transpose_lhs_hint = false} : vector<64x512xf32>, vector<512x64xf32>, vector<64x64xf32> -> vector<64x64xf32>
    %add3A_497 = arith.addf %dot_general3A_493, %dot_general3A_496 : vector<64x64xf32>
    %max3A_498 = arith.constant 0.000000e+00 : f32
    %max3A_499 = vector.broadcast %max3A_498 : f32 to vector<64x64xf32>
    %max3A_500 = arith.maximumf %add3A_497, %max3A_499 : vector<64x64xf32>
    %mul3A_501 = arith.mulf %max3A_500, %max3A_500 : vector<64x64xf32>
    %dot_general3A_502 = arith.constant dense<0.000000e+00> : vector<64x1024xf32>
    %dot_general3A_503 = tpu.matmul %mul3A_501, %get3A_456, %dot_general3A_502 {dimension_numbers = #tpu.dot_dimension_numbers<[1], [0], [0], [1], [0, 0, 1, 1], [], []>, transpose_lhs_hint = false} : vector<64x64xf32>, vector<64x1024xf32>, vector<64x1024xf32> -> vector<64x1024xf32>
    %swap3A_504 = arith.index_cast %multiple_of3A_487 : i32 to index
    %swap3A_505 = arith.constant 0 : index
    %swap3A_506 = vector.load %arg6[%swap3A_504, %swap3A_505] : memref<2624x1024xf32, #tpu.memory_space<vmem>>, vector<64x1024xf32>
    tpu.vector_store %arg6[%swap3A_504, %swap3A_505], %dot_general3A_503 {strides = array<i32>} : memref<2624x1024xf32, #tpu.memory_space<vmem>>, vector<64x1024xf32>,
    %while3A_507 = arith.constant 0 : i32
    %while3A_508 = arith.constant 1 : i32
    %while3A_509 = arith.subi %select_n3A_484, %while3A_508 : i32
    %while3A_510 = arith.addi %while3A_508, %while3A_509 : i32
    %while3A_511 = arith.constant 1 : i32
    %while3A_512 = arith.divsi %while3A_509, %while3A_511 : i32
    %while3A_513 = arith.muli %while3A_512, %while3A_511 : i32
    %while3A_514 = arith.addi %while3A_508, %while3A_513 : i32
    %while3A_515 = arith.constant 1 : i32
    scf.for %while3A_695 = %while3A_508 to %while3A_514 step %while3A_515  : i32 {
      %mul3A_696 = arith.constant 64 : i32
      %mul3A_697 = arith.muli %while3A_695, %mul3A_696 : i32
      %add3A_698 = arith.addi %get3A_435, %mul3A_697 : i32
      %multiple_of3A_699 = tpu.assume_multiple %add3A_698, 8 : i32
      %get3A_700 = arith.index_cast %multiple_of3A_699 : i32 to index
      %get3A_701 = arith.constant 0 : index
      %get3A_702 = vector.load %arg2[%get3A_700, %get3A_701] : memref<2624x1024xf32, #tpu.memory_space<vmem>>, vector<64x1024xf32>
      %slice3A_703 = vector.extract_strided_slice %get3A_702 {offsets = [0, 0], sizes = [64, 512], strides = [1, 1]} : vector<64x1024xf32> to vector<64x512xf32>
      %dot_general3A_704 = arith.constant dense<0.000000e+00> : vector<64x64xf32>
      %dot_general3A_705 = tpu.matmul %slice3A_703, %get3A_446, %dot_general3A_704 {dimension_numbers = #tpu.dot_dimension_numbers<[1], [0], [0], [1], [0, 0, 1, 1], [], []>, transpose_lhs_hint = false} : vector<64x512xf32>, vector<512x64xf32>, vector<64x64xf32> -> vector<64x64xf32>
      %slice3A_706 = vector.extract_strided_slice %get3A_702 {offsets = [0, 512], sizes = [64, 512], strides = [1, 1]} : vector<64x1024xf32> to vector<64x512xf32>
      %dot_general3A_707 = arith.constant dense<0.000000e+00> : vector<64x64xf32>
      %dot_general3A_708 = tpu.matmul %slice3A_706, %get3A_451, %dot_general3A_707 {dimension_numbers = #tpu.dot_dimension_numbers<[1], [0], [0], [1], [0, 0, 1, 1], [], []>, transpose_lhs_hint = false} : vector<64x512xf32>, vector<512x64xf32>, vector<64x64xf32> -> vector<64x64xf32>
      %add3A_709 = arith.addf %dot_general3A_705, %dot_general3A_708 : vector<64x64xf32>
      %max3A_710 = arith.constant 0.000000e+00 : f32
      %max3A_711 = vector.broadcast %max3A_710 : f32 to vector<64x64xf32>
      %max3A_712 = arith.maximumf %add3A_709, %max3A_711 : vector<64x64xf32>
      %mul3A_713 = arith.mulf %max3A_712, %max3A_712 : vector<64x64xf32>
      %dot_general3A_714 = arith.constant dense<0.000000e+00> : vector<64x1024xf32>
      %dot_general3A_715 = tpu.matmul %mul3A_713, %get3A_456, %dot_general3A_714 {dimension_numbers = #tpu.dot_dimension_numbers<[1], [0], [0], [1], [0, 0, 1, 1], [], []>, transpose_lhs_hint = false} : vector<64x64xf32>, vector<64x1024xf32>, vector<64x1024xf32> -> vector<64x1024xf32>
      %swap3A_716 = arith.index_cast %multiple_of3A_699 : i32 to index
      %swap3A_717 = arith.constant 0 : index
      %swap3A_718 = vector.load %arg6[%swap3A_716, %swap3A_717] : memref<2624x1024xf32, #tpu.memory_space<vmem>>, vector<64x1024xf32>
      tpu.vector_store %arg6[%swap3A_716, %swap3A_717], %dot_general3A_715 {strides = array<i32>} : memref<2624x1024xf32, #tpu.memory_space<vmem>>, vector<64x1024xf32>,
    }
    %while3A_516 = arith.constant 1 : i32
    scf.for %while3A_695 = %while3A_514 to %while3A_510 step %while3A_516  : i32 {
      %mul3A_696 = arith.constant 64 : i32
      %mul3A_697 = arith.muli %while3A_695, %mul3A_696 : i32
      %add3A_698 = arith.addi %get3A_435, %mul3A_697 : i32
      %multiple_of3A_699 = tpu.assume_multiple %add3A_698, 8 : i32
      %get3A_700 = arith.index_cast %multiple_of3A_699 : i32 to index
      %get3A_701 = arith.constant 0 : index
      %get3A_702 = vector.load %arg2[%get3A_700, %get3A_701] : memref<2624x1024xf32, #tpu.memory_space<vmem>>, vector<64x1024xf32>
      %slice3A_703 = vector.extract_strided_slice %get3A_702 {offsets = [0, 0], sizes = [64, 512], strides = [1, 1]} : vector<64x1024xf32> to vector<64x512xf32>
      %dot_general3A_704 = arith.constant dense<0.000000e+00> : vector<64x64xf32>
      %dot_general3A_705 = tpu.matmul %slice3A_703, %get3A_446, %dot_general3A_704 {dimension_numbers = #tpu.dot_dimension_numbers<[1], [0], [0], [1], [0, 0, 1, 1], [], []>, transpose_lhs_hint = false} : vector<64x512xf32>, vector<512x64xf32>, vector<64x64xf32> -> vector<64x64xf32>
      %slice3A_706 = vector.extract_strided_slice %get3A_702 {offsets = [0, 512], sizes = [64, 512], strides = [1, 1]} : vector<64x1024xf32> to vector<64x512xf32>
      %dot_general3A_707 = arith.constant dense<0.000000e+00> : vector<64x64xf32>
      %dot_general3A_708 = tpu.matmul %slice3A_706, %get3A_451, %dot_general3A_707 {dimension_numbers = #tpu.dot_dimension_numbers<[1], [0], [0], [1], [0, 0, 1, 1], [], []>, transpose_lhs_hint = false} : vector<64x512xf32>, vector<512x64xf32>, vector<64x64xf32> -> vector<64x64xf32>
      %add3A_709 = arith.addf %dot_general3A_705, %dot_general3A_708 : vector<64x64xf32>
      %max3A_710 = arith.constant 0.000000e+00 : f32
      %max3A_711 = vector.broadcast %max3A_710 : f32 to vector<64x64xf32>
      %max3A_712 = arith.maximumf %add3A_709, %max3A_711 : vector<64x64xf32>
      %mul3A_713 = arith.mulf %max3A_712, %max3A_712 : vector<64x64xf32>
      %dot_general3A_714 = arith.constant dense<0.000000e+00> : vector<64x1024xf32>
      %dot_general3A_715 = tpu.matmul %mul3A_713, %get3A_456, %dot_general3A_714 {dimension_numbers = #tpu.dot_dimension_numbers<[1], [0], [0], [1], [0, 0, 1, 1], [], []>, transpose_lhs_hint = false} : vector<64x64xf32>, vector<64x1024xf32>, vector<64x1024xf32> -> vector<64x1024xf32>
      %swap3A_716 = arith.index_cast %multiple_of3A_699 : i32 to index
      %swap3A_717 = arith.constant 0 : index
      %swap3A_718 = vector.load %arg6[%swap3A_716, %swap3A_717] : memref<2624x1024xf32, #tpu.memory_space<vmem>>, vector<64x1024xf32>
      tpu.vector_store %arg6[%swap3A_716, %swap3A_717], %dot_general3A_715 {strides = array<i32>} : memref<2624x1024xf32, #tpu.memory_space<vmem>>, vector<64x1024xf32>,
    }
    %mul3A_517 = arith.constant 8 : i32
    %mul3A_518 = arith.muli %arg0, %mul3A_517 : i32
    %add3A_519 = arith.constant 6 : i32
    %add3A_520 = arith.addi %mul3A_518, %add3A_519 : i32
    %mul3A_521 = arith.constant 2 : i32
    %mul3A_522 = arith.muli %mul3A_521, %add3A_520 : i32
    %get3A_523 = arith.index_cast %mul3A_522 : i32 to index
    %get3A_524 = memref.load %arg1[%get3A_523] : memref<128xi32, #tpu.memory_space<smem>>
    %mul3A_525 = arith.constant 2 : i32
    %mul3A_526 = arith.muli %mul3A_525, %add3A_520 : i32
    %add3A_527 = arith.constant 1 : i32
    %add3A_528 = arith.addi %mul3A_526, %add3A_527 : i32
    %get3A_529 = arith.index_cast %add3A_528 : i32 to index
    %get3A_530 = memref.load %arg1[%get3A_529] : memref<128xi32, #tpu.memory_space<smem>>
    %get3A_531 = arith.constant 6 : index
    %get3A_532 = arith.constant 0 : index
    %get3A_533 = arith.constant 0 : index
    %get3A_534 = vector.load %arg3[%get3A_531, %get3A_532, %get3A_533] : memref<8x512x64xf32, #tpu.memory_space<vmem>>, vector<1x512x64xf32>
    %get3A_535 = vector.shape_cast %get3A_534 : vector<1x512x64xf32> to vector<512x64xf32>
    %get3A_536 = arith.constant 6 : index
    %get3A_537 = arith.constant 0 : index
    %get3A_538 = arith.constant 0 : index
    %get3A_539 = vector.load %arg4[%get3A_536, %get3A_537, %get3A_538] : memref<8x512x64xf32, #tpu.memory_space<vmem>>, vector<1x512x64xf32>
    %get3A_540 = vector.shape_cast %get3A_539 : vector<1x512x64xf32> to vector<512x64xf32>
    %get3A_541 = arith.constant 6 : index
    %get3A_542 = arith.constant 0 : index
    %get3A_543 = arith.constant 0 : index
    %get3A_544 = vector.load %arg5[%get3A_541, %get3A_542, %get3A_543] : memref<8x64x1024xf32, #tpu.memory_space<vmem>>, vector<1x64x1024xf32>
    %get3A_545 = vector.shape_cast %get3A_544 : vector<1x64x1024xf32> to vector<64x1024xf32>
    %add3A_546 = arith.constant 64 : i32
    %add3A_547 = arith.addi %get3A_530, %add3A_546 : i32
    %sub3A_548 = arith.constant 1 : i32
    %sub3A_549 = arith.subi %add3A_547, %sub3A_548 : i32
    %jit3A_550 = arith.constant 64 : i32
    %div3A_551 = arith.divsi %sub3A_549, %jit3A_550 : i32
    %sign3A_552 = arith.constant 0 : i32
    %sign3A_553 = arith.cmpi sgt, %sub3A_549, %sign3A_552 : i32
    %sign3A_554 = arith.extui %sign3A_553 : i1 to i32
    %sign3A_555 = arith.constant 0 : i32
    %sign3A_556 = arith.cmpi slt, %sub3A_549, %sign3A_555 : i32
    %sign3A_557 = arith.extui %sign3A_556 : i1 to i32
    %sign3A_558 = arith.subi %sign3A_554, %sign3A_557 : i32
    %sign3A_559 = arith.constant 0 : i32
    %sign3A_560 = arith.cmpi sgt, %jit3A_550, %sign3A_559 : i32
    %sign3A_561 = arith.extui %sign3A_560 : i1 to i32
    %sign3A_562 = arith.constant 0 : i32
    %sign3A_563 = arith.cmpi slt, %jit3A_550, %sign3A_562 : i32
    %sign3A_564 = arith.extui %sign3A_563 : i1 to i32
    %sign3A_565 = arith.subi %sign3A_561, %sign3A_564 : i32
    %ne3A_566 = arith.cmpi ne, %sign3A_558, %sign3A_565 : i32
    %rem3A_567 = arith.remsi %sub3A_549, %jit3A_550 : i32
    %ne3A_568 = arith.constant 0 : i32
    %ne3A_569 = arith.cmpi ne, %rem3A_567, %ne3A_568 : i32
    %and3A_570 = arith.andi %ne3A_566, %ne3A_569 : i1
    %sub3A_571 = arith.constant 1 : i32
    %sub3A_572 = arith.subi %div3A_551, %sub3A_571 : i32
    %select_n3A_573 = arith.select %and3A_570, %sub3A_572, %div3A_551 : i32
    %add3A_574 = arith.constant 0 : i32
    %add3A_575 = arith.addi %get3A_524, %add3A_574 : i32
    %multiple_of3A_576 = tpu.assume_multiple %add3A_575, 8 : i32
    %get3A_577 = arith.index_cast %multiple_of3A_576 : i32 to index
    %get3A_578 = arith.constant 0 : index
    %get3A_579 = vector.load %arg2[%get3A_577, %get3A_578] : memref<2624x1024xf32, #tpu.memory_space<vmem>>, vector<64x1024xf32>
    %slice3A_580 = vector.extract_strided_slice %get3A_579 {offsets = [0, 0], sizes = [64, 512], strides = [1, 1]} : vector<64x1024xf32> to vector<64x512xf32>
    %dot_general3A_581 = arith.constant dense<0.000000e+00> : vector<64x64xf32>
    %dot_general3A_582 = tpu.matmul %slice3A_580, %get3A_535, %dot_general3A_581 {dimension_numbers = #tpu.dot_dimension_numbers<[1], [0], [0], [1], [0, 0, 1, 1], [], []>, transpose_lhs_hint = false} : vector<64x512xf32>, vector<512x64xf32>, vector<64x64xf32> -> vector<64x64xf32>
    %slice3A_583 = vector.extract_strided_slice %get3A_579 {offsets = [0, 512], sizes = [64, 512], strides = [1, 1]} : vector<64x1024xf32> to vector<64x512xf32>
    %dot_general3A_584 = arith.constant dense<0.000000e+00> : vector<64x64xf32>
    %dot_general3A_585 = tpu.matmul %slice3A_583, %get3A_540, %dot_general3A_584 {dimension_numbers = #tpu.dot_dimension_numbers<[1], [0], [0], [1], [0, 0, 1, 1], [], []>, transpose_lhs_hint = false} : vector<64x512xf32>, vector<512x64xf32>, vector<64x64xf32> -> vector<64x64xf32>
    %add3A_586 = arith.addf %dot_general3A_582, %dot_general3A_585 : vector<64x64xf32>
    %max3A_587 = arith.constant 0.000000e+00 : f32
    %max3A_588 = vector.broadcast %max3A_587 : f32 to vector<64x64xf32>
    %max3A_589 = arith.maximumf %add3A_586, %max3A_588 : vector<64x64xf32>
    %mul3A_590 = arith.mulf %max3A_589, %max3A_589 : vector<64x64xf32>
    %dot_general3A_591 = arith.constant dense<0.000000e+00> : vector<64x1024xf32>
    %dot_general3A_592 = tpu.matmul %mul3A_590, %get3A_545, %dot_general3A_591 {dimension_numbers = #tpu.dot_dimension_numbers<[1], [0], [0], [1], [0, 0, 1, 1], [], []>, transpose_lhs_hint = false} : vector<64x64xf32>, vector<64x1024xf32>, vector<64x1024xf32> -> vector<64x1024xf32>
    %swap3A_593 = arith.index_cast %multiple_of3A_576 : i32 to index
    %swap3A_594 = arith.constant 0 : index
    %swap3A_595 = vector.load %arg6[%swap3A_593, %swap3A_594] : memref<2624x1024xf32, #tpu.memory_space<vmem>>, vector<64x1024xf32>
    tpu.vector_store %arg6[%swap3A_593, %swap3A_594], %dot_general3A_592 {strides = array<i32>} : memref<2624x1024xf32, #tpu.memory_space<vmem>>, vector<64x1024xf32>,
    %while3A_596 = arith.constant 0 : i32
    %while3A_597 = arith.constant 1 : i32
    %while3A_598 = arith.subi %select_n3A_573, %while3A_597 : i32
    %while3A_599 = arith.addi %while3A_597, %while3A_598 : i32
    %while3A_600 = arith.constant 1 : i32
    %while3A_601 = arith.divsi %while3A_598, %while3A_600 : i32
    %while3A_602 = arith.muli %while3A_601, %while3A_600 : i32
    %while3A_603 = arith.addi %while3A_597, %while3A_602 : i32
    %while3A_604 = arith.constant 1 : i32
    scf.for %while3A_695 = %while3A_597 to %while3A_603 step %while3A_604  : i32 {
      %mul3A_696 = arith.constant 64 : i32
      %mul3A_697 = arith.muli %while3A_695, %mul3A_696 : i32
      %add3A_698 = arith.addi %get3A_524, %mul3A_697 : i32
      %multiple_of3A_699 = tpu.assume_multiple %add3A_698, 8 : i32
      %get3A_700 = arith.index_cast %multiple_of3A_699 : i32 to index
      %get3A_701 = arith.constant 0 : index
      %get3A_702 = vector.load %arg2[%get3A_700, %get3A_701] : memref<2624x1024xf32, #tpu.memory_space<vmem>>, vector<64x1024xf32>
      %slice3A_703 = vector.extract_strided_slice %get3A_702 {offsets = [0, 0], sizes = [64, 512], strides = [1, 1]} : vector<64x1024xf32> to vector<64x512xf32>
      %dot_general3A_704 = arith.constant dense<0.000000e+00> : vector<64x64xf32>
      %dot_general3A_705 = tpu.matmul %slice3A_703, %get3A_535, %dot_general3A_704 {dimension_numbers = #tpu.dot_dimension_numbers<[1], [0], [0], [1], [0, 0, 1, 1], [], []>, transpose_lhs_hint = false} : vector<64x512xf32>, vector<512x64xf32>, vector<64x64xf32> -> vector<64x64xf32>
      %slice3A_706 = vector.extract_strided_slice %get3A_702 {offsets = [0, 512], sizes = [64, 512], strides = [1, 1]} : vector<64x1024xf32> to vector<64x512xf32>
      %dot_general3A_707 = arith.constant dense<0.000000e+00> : vector<64x64xf32>
      %dot_general3A_708 = tpu.matmul %slice3A_706, %get3A_540, %dot_general3A_707 {dimension_numbers = #tpu.dot_dimension_numbers<[1], [0], [0], [1], [0, 0, 1, 1], [], []>, transpose_lhs_hint = false} : vector<64x512xf32>, vector<512x64xf32>, vector<64x64xf32> -> vector<64x64xf32>
      %add3A_709 = arith.addf %dot_general3A_705, %dot_general3A_708 : vector<64x64xf32>
      %max3A_710 = arith.constant 0.000000e+00 : f32
      %max3A_711 = vector.broadcast %max3A_710 : f32 to vector<64x64xf32>
      %max3A_712 = arith.maximumf %add3A_709, %max3A_711 : vector<64x64xf32>
      %mul3A_713 = arith.mulf %max3A_712, %max3A_712 : vector<64x64xf32>
      %dot_general3A_714 = arith.constant dense<0.000000e+00> : vector<64x1024xf32>
      %dot_general3A_715 = tpu.matmul %mul3A_713, %get3A_545, %dot_general3A_714 {dimension_numbers = #tpu.dot_dimension_numbers<[1], [0], [0], [1], [0, 0, 1, 1], [], []>, transpose_lhs_hint = false} : vector<64x64xf32>, vector<64x1024xf32>, vector<64x1024xf32> -> vector<64x1024xf32>
      %swap3A_716 = arith.index_cast %multiple_of3A_699 : i32 to index
      %swap3A_717 = arith.constant 0 : index
      %swap3A_718 = vector.load %arg6[%swap3A_716, %swap3A_717] : memref<2624x1024xf32, #tpu.memory_space<vmem>>, vector<64x1024xf32>
      tpu.vector_store %arg6[%swap3A_716, %swap3A_717], %dot_general3A_715 {strides = array<i32>} : memref<2624x1024xf32, #tpu.memory_space<vmem>>, vector<64x1024xf32>,
    }
    %while3A_605 = arith.constant 1 : i32
    scf.for %while3A_695 = %while3A_603 to %while3A_599 step %while3A_605  : i32 {
      %mul3A_696 = arith.constant 64 : i32
      %mul3A_697 = arith.muli %while3A_695, %mul3A_696 : i32
      %add3A_698 = arith.addi %get3A_524, %mul3A_697 : i32
      %multiple_of3A_699 = tpu.assume_multiple %add3A_698, 8 : i32
      %get3A_700 = arith.index_cast %multiple_of3A_699 : i32 to index
      %get3A_701 = arith.constant 0 : index
      %get3A_702 = vector.load %arg2[%get3A_700, %get3A_701] : memref<2624x1024xf32, #tpu.memory_space<vmem>>, vector<64x1024xf32>
      %slice3A_703 = vector.extract_strided_slice %get3A_702 {offsets = [0, 0], sizes = [64, 512], strides = [1, 1]} : vector<64x1024xf32> to vector<64x512xf32>
      %dot_general3A_704 = arith.constant dense<0.000000e+00> : vector<64x64xf32>
      %dot_general3A_705 = tpu.matmul %slice3A_703, %get3A_535, %dot_general3A_704 {dimension_numbers = #tpu.dot_dimension_numbers<[1], [0], [0], [1], [0, 0, 1, 1], [], []>, transpose_lhs_hint = false} : vector<64x512xf32>, vector<512x64xf32>, vector<64x64xf32> -> vector<64x64xf32>
      %slice3A_706 = vector.extract_strided_slice %get3A_702 {offsets = [0, 512], sizes = [64, 512], strides = [1, 1]} : vector<64x1024xf32> to vector<64x512xf32>
      %dot_general3A_707 = arith.constant dense<0.000000e+00> : vector<64x64xf32>
      %dot_general3A_708 = tpu.matmul %slice3A_706, %get3A_540, %dot_general3A_707 {dimension_numbers = #tpu.dot_dimension_numbers<[1], [0], [0], [1], [0, 0, 1, 1], [], []>, transpose_lhs_hint = false} : vector<64x512xf32>, vector<512x64xf32>, vector<64x64xf32> -> vector<64x64xf32>
      %add3A_709 = arith.addf %dot_general3A_705, %dot_general3A_708 : vector<64x64xf32>
      %max3A_710 = arith.constant 0.000000e+00 : f32
      %max3A_711 = vector.broadcast %max3A_710 : f32 to vector<64x64xf32>
      %max3A_712 = arith.maximumf %add3A_709, %max3A_711 : vector<64x64xf32>
      %mul3A_713 = arith.mulf %max3A_712, %max3A_712 : vector<64x64xf32>
      %dot_general3A_714 = arith.constant dense<0.000000e+00> : vector<64x1024xf32>
      %dot_general3A_715 = tpu.matmul %mul3A_713, %get3A_545, %dot_general3A_714 {dimension_numbers = #tpu.dot_dimension_numbers<[1], [0], [0], [1], [0, 0, 1, 1], [], []>, transpose_lhs_hint = false} : vector<64x64xf32>, vector<64x1024xf32>, vector<64x1024xf32> -> vector<64x1024xf32>
      %swap3A_716 = arith.index_cast %multiple_of3A_699 : i32 to index
      %swap3A_717 = arith.constant 0 : index
      %swap3A_718 = vector.load %arg6[%swap3A_716, %swap3A_717] : memref<2624x1024xf32, #tpu.memory_space<vmem>>, vector<64x1024xf32>
      tpu.vector_store %arg6[%swap3A_716, %swap3A_717], %dot_general3A_715 {strides = array<i32>} : memref<2624x1024xf32, #tpu.memory_space<vmem>>, vector<64x1024xf32>,
    }
    %mul3A_606 = arith.constant 8 : i32
    %mul3A_607 = arith.muli %arg0, %mul3A_606 : i32
    %add3A_608 = arith.constant 7 : i32
    %add3A_609 = arith.addi %mul3A_607, %add3A_608 : i32
    %mul3A_610 = arith.constant 2 : i32
    %mul3A_611 = arith.muli %mul3A_610, %add3A_609 : i32
    %get3A_612 = arith.index_cast %mul3A_611 : i32 to index
    %get3A_613 = memref.load %arg1[%get3A_612] : memref<128xi32, #tpu.memory_space<smem>>
    %mul3A_614 = arith.constant 2 : i32
    %mul3A_615 = arith.muli %mul3A_614, %add3A_609 : i32
    %add3A_616 = arith.constant 1 : i32
    %add3A_617 = arith.addi %mul3A_615, %add3A_616 : i32
    %get3A_618 = arith.index_cast %add3A_617 : i32 to index
    %get3A_619 = memref.load %arg1[%get3A_618] : memref<128xi32, #tpu.memory_space<smem>>
    %get3A_620 = arith.constant 7 : index
    %get3A_621 = arith.constant 0 : index
    %get3A_622 = arith.constant 0 : index
    %get3A_623 = vector.load %arg3[%get3A_620, %get3A_621, %get3A_622] : memref<8x512x64xf32, #tpu.memory_space<vmem>>, vector<1x512x64xf32>
    %get3A_624 = vector.shape_cast %get3A_623 : vector<1x512x64xf32> to vector<512x64xf32>
    %get3A_625 = arith.constant 7 : index
    %get3A_626 = arith.constant 0 : index
    %get3A_627 = arith.constant 0 : index
    %get3A_628 = vector.load %arg4[%get3A_625, %get3A_626, %get3A_627] : memref<8x512x64xf32, #tpu.memory_space<vmem>>, vector<1x512x64xf32>
    %get3A_629 = vector.shape_cast %get3A_628 : vector<1x512x64xf32> to vector<512x64xf32>
    %get3A_630 = arith.constant 7 : index
    %get3A_631 = arith.constant 0 : index
    %get3A_632 = arith.constant 0 : index
    %get3A_633 = vector.load %arg5[%get3A_630, %get3A_631, %get3A_632] : memref<8x64x1024xf32, #tpu.memory_space<vmem>>, vector<1x64x1024xf32>
    %get3A_634 = vector.shape_cast %get3A_633 : vector<1x64x1024xf32> to vector<64x1024xf32>
    %add3A_635 = arith.constant 64 : i32
    %add3A_636 = arith.addi %get3A_619, %add3A_635 : i32
    %sub3A_637 = arith.constant 1 : i32
    %sub3A_638 = arith.subi %add3A_636, %sub3A_637 : i32
    %jit3A_639 = arith.constant 64 : i32
    %div3A_640 = arith.divsi %sub3A_638, %jit3A_639 : i32
    %sign3A_641 = arith.constant 0 : i32
    %sign3A_642 = arith.cmpi sgt, %sub3A_638, %sign3A_641 : i32
    %sign3A_643 = arith.extui %sign3A_642 : i1 to i32
    %sign3A_644 = arith.constant 0 : i32
    %sign3A_645 = arith.cmpi slt, %sub3A_638, %sign3A_644 : i32
    %sign3A_646 = arith.extui %sign3A_645 : i1 to i32
    %sign3A_647 = arith.subi %sign3A_643, %sign3A_646 : i32
    %sign3A_648 = arith.constant 0 : i32
    %sign3A_649 = arith.cmpi sgt, %jit3A_639, %sign3A_648 : i32
    %sign3A_650 = arith.extui %sign3A_649 : i1 to i32
    %sign3A_651 = arith.constant 0 : i32
    %sign3A_652 = arith.cmpi slt, %jit3A_639, %sign3A_651 : i32
    %sign3A_653 = arith.extui %sign3A_652 : i1 to i32
    %sign3A_654 = arith.subi %sign3A_650, %sign3A_653 : i32
    %ne3A_655 = arith.cmpi ne, %sign3A_647, %sign3A_654 : i32
    %rem3A_656 = arith.remsi %sub3A_638, %jit3A_639 : i32
    %ne3A_657 = arith.constant 0 : i32
    %ne3A_658 = arith.cmpi ne, %rem3A_656, %ne3A_657 : i32
    %and3A_659 = arith.andi %ne3A_655, %ne3A_658 : i1
    %sub3A_660 = arith.constant 1 : i32
    %sub3A_661 = arith.subi %div3A_640, %sub3A_660 : i32
    %select_n3A_662 = arith.select %and3A_659, %sub3A_661, %div3A_640 : i32
    %add3A_663 = arith.constant 0 : i32
    %add3A_664 = arith.addi %get3A_613, %add3A_663 : i32
    %multiple_of3A_665 = tpu.assume_multiple %add3A_664, 8 : i32
    %get3A_666 = arith.index_cast %multiple_of3A_665 : i32 to index
    %get3A_667 = arith.constant 0 : index
    %get3A_668 = vector.load %arg2[%get3A_666, %get3A_667] : memref<2624x1024xf32, #tpu.memory_space<vmem>>, vector<64x1024xf32>
    %slice3A_669 = vector.extract_strided_slice %get3A_668 {offsets = [0, 0], sizes = [64, 512], strides = [1, 1]} : vector<64x1024xf32> to vector<64x512xf32>
    %dot_general3A_670 = arith.constant dense<0.000000e+00> : vector<64x64xf32>
    %dot_general3A_671 = tpu.matmul %slice3A_669, %get3A_624, %dot_general3A_670 {dimension_numbers = #tpu.dot_dimension_numbers<[1], [0], [0], [1], [0, 0, 1, 1], [], []>, transpose_lhs_hint = false} : vector<64x512xf32>, vector<512x64xf32>, vector<64x64xf32> -> vector<64x64xf32>
    %slice3A_672 = vector.extract_strided_slice %get3A_668 {offsets = [0, 512], sizes = [64, 512], strides = [1, 1]} : vector<64x1024xf32> to vector<64x512xf32>
    %dot_general3A_673 = arith.constant dense<0.000000e+00> : vector<64x64xf32>
    %dot_general3A_674 = tpu.matmul %slice3A_672, %get3A_629, %dot_general3A_673 {dimension_numbers = #tpu.dot_dimension_numbers<[1], [0], [0], [1], [0, 0, 1, 1], [], []>, transpose_lhs_hint = false} : vector<64x512xf32>, vector<512x64xf32>, vector<64x64xf32> -> vector<64x64xf32>
    %add3A_675 = arith.addf %dot_general3A_671, %dot_general3A_674 : vector<64x64xf32>
    %max3A_676 = arith.constant 0.000000e+00 : f32
    %max3A_677 = vector.broadcast %max3A_676 : f32 to vector<64x64xf32>
    %max3A_678 = arith.maximumf %add3A_675, %max3A_677 : vector<64x64xf32>
    %mul3A_679 = arith.mulf %max3A_678, %max3A_678 : vector<64x64xf32>
    %dot_general3A_680 = arith.constant dense<0.000000e+00> : vector<64x1024xf32>
    %dot_general3A_681 = tpu.matmul %mul3A_679, %get3A_634, %dot_general3A_680 {dimension_numbers = #tpu.dot_dimension_numbers<[1], [0], [0], [1], [0, 0, 1, 1], [], []>, transpose_lhs_hint = false} : vector<64x64xf32>, vector<64x1024xf32>, vector<64x1024xf32> -> vector<64x1024xf32>
    %swap3A_682 = arith.index_cast %multiple_of3A_665 : i32 to index
    %swap3A_683 = arith.constant 0 : index
    %swap3A_684 = vector.load %arg6[%swap3A_682, %swap3A_683] : memref<2624x1024xf32, #tpu.memory_space<vmem>>, vector<64x1024xf32>
    tpu.vector_store %arg6[%swap3A_682, %swap3A_683], %dot_general3A_681 {strides = array<i32>} : memref<2624x1024xf32, #tpu.memory_space<vmem>>, vector<64x1024xf32>,
    %while3A_685 = arith.constant 0 : i32
    %while3A_686 = arith.constant 1 : i32
    %while3A_687 = arith.subi %select_n3A_662, %while3A_686 : i32
    %while3A_688 = arith.addi %while3A_686, %while3A_687 : i32
    %while3A_689 = arith.constant 1 : i32
    %while3A_690 = arith.divsi %while3A_687, %while3A_689 : i32
    %while3A_691 = arith.muli %while3A_690, %while3A_689 : i32
    %while3A_692 = arith.addi %while3A_686, %while3A_691 : i32
    %while3A_693 = arith.constant 1 : i32
    scf.for %while3A_695 = %while3A_686 to %while3A_692 step %while3A_693  : i32 {
      %mul3A_696 = arith.constant 64 : i32
      %mul3A_697 = arith.muli %while3A_695, %mul3A_696 : i32
      %add3A_698 = arith.addi %get3A_613, %mul3A_697 : i32
      %multiple_of3A_699 = tpu.assume_multiple %add3A_698, 8 : i32
      %get3A_700 = arith.index_cast %multiple_of3A_699 : i32 to index
      %get3A_701 = arith.constant 0 : index
      %get3A_702 = vector.load %arg2[%get3A_700, %get3A_701] : memref<2624x1024xf32, #tpu.memory_space<vmem>>, vector<64x1024xf32>
      %slice3A_703 = vector.extract_strided_slice %get3A_702 {offsets = [0, 0], sizes = [64, 512], strides = [1, 1]} : vector<64x1024xf32> to vector<64x512xf32>
      %dot_general3A_704 = arith.constant dense<0.000000e+00> : vector<64x64xf32>
      %dot_general3A_705 = tpu.matmul %slice3A_703, %get3A_624, %dot_general3A_704 {dimension_numbers = #tpu.dot_dimension_numbers<[1], [0], [0], [1], [0, 0, 1, 1], [], []>, transpose_lhs_hint = false} : vector<64x512xf32>, vector<512x64xf32>, vector<64x64xf32> -> vector<64x64xf32>
      %slice3A_706 = vector.extract_strided_slice %get3A_702 {offsets = [0, 512], sizes = [64, 512], strides = [1, 1]} : vector<64x1024xf32> to vector<64x512xf32>
      %dot_general3A_707 = arith.constant dense<0.000000e+00> : vector<64x64xf32>
      %dot_general3A_708 = tpu.matmul %slice3A_706, %get3A_629, %dot_general3A_707 {dimension_numbers = #tpu.dot_dimension_numbers<[1], [0], [0], [1], [0, 0, 1, 1], [], []>, transpose_lhs_hint = false} : vector<64x512xf32>, vector<512x64xf32>, vector<64x64xf32> -> vector<64x64xf32>
      %add3A_709 = arith.addf %dot_general3A_705, %dot_general3A_708 : vector<64x64xf32>
      %max3A_710 = arith.constant 0.000000e+00 : f32
      %max3A_711 = vector.broadcast %max3A_710 : f32 to vector<64x64xf32>
      %max3A_712 = arith.maximumf %add3A_709, %max3A_711 : vector<64x64xf32>
      %mul3A_713 = arith.mulf %max3A_712, %max3A_712 : vector<64x64xf32>
      %dot_general3A_714 = arith.constant dense<0.000000e+00> : vector<64x1024xf32>
      %dot_general3A_715 = tpu.matmul %mul3A_713, %get3A_634, %dot_general3A_714 {dimension_numbers = #tpu.dot_dimension_numbers<[1], [0], [0], [1], [0, 0, 1, 1], [], []>, transpose_lhs_hint = false} : vector<64x64xf32>, vector<64x1024xf32>, vector<64x1024xf32> -> vector<64x1024xf32>
      %swap3A_716 = arith.index_cast %multiple_of3A_699 : i32 to index
      %swap3A_717 = arith.constant 0 : index
      %swap3A_718 = vector.load %arg6[%swap3A_716, %swap3A_717] : memref<2624x1024xf32, #tpu.memory_space<vmem>>, vector<64x1024xf32>
      tpu.vector_store %arg6[%swap3A_716, %swap3A_717], %dot_general3A_715 {strides = array<i32>} : memref<2624x1024xf32, #tpu.memory_space<vmem>>, vector<64x1024xf32>,
    }
    %while3A_694 = arith.constant 1 : i32
    scf.for %while3A_695 = %while3A_692 to %while3A_688 step %while3A_694  : i32 {
      %mul3A_696 = arith.constant 64 : i32
      %mul3A_697 = arith.muli %while3A_695, %mul3A_696 : i32
      %add3A_698 = arith.addi %get3A_613, %mul3A_697 : i32
      %multiple_of3A_699 = tpu.assume_multiple %add3A_698, 8 : i32
      %get3A_700 = arith.index_cast %multiple_of3A_699 : i32 to index
      %get3A_701 = arith.constant 0 : index
      %get3A_702 = vector.load %arg2[%get3A_700, %get3A_701] : memref<2624x1024xf32, #tpu.memory_space<vmem>>, vector<64x1024xf32>
      %slice3A_703 = vector.extract_strided_slice %get3A_702 {offsets = [0, 0], sizes = [64, 512], strides = [1, 1]} : vector<64x1024xf32> to vector<64x512xf32>
      %dot_general3A_704 = arith.constant dense<0.000000e+00> : vector<64x64xf32>
      %dot_general3A_705 = tpu.matmul %slice3A_703, %get3A_624, %dot_general3A_704 {dimension_numbers = #tpu.dot_dimension_numbers<[1], [0], [0], [1], [0, 0, 1, 1], [], []>, transpose_lhs_hint = false} : vector<64x512xf32>, vector<512x64xf32>, vector<64x64xf32> -> vector<64x64xf32>
      %slice3A_706 = vector.extract_strided_slice %get3A_702 {offsets = [0, 512], sizes = [64, 512], strides = [1, 1]} : vector<64x1024xf32> to vector<64x512xf32>
      %dot_general3A_707 = arith.constant dense<0.000000e+00> : vector<64x64xf32>
      %dot_general3A_708 = tpu.matmul %slice3A_706, %get3A_629, %dot_general3A_707 {dimension_numbers = #tpu.dot_dimension_numbers<[1], [0], [0], [1], [0, 0, 1, 1], [], []>, transpose_lhs_hint = false} : vector<64x512xf32>, vector<512x64xf32>, vector<64x64xf32> -> vector<64x64xf32>
      %add3A_709 = arith.addf %dot_general3A_705, %dot_general3A_708 : vector<64x64xf32>
      %max3A_710 = arith.constant 0.000000e+00 : f32
      %max3A_711 = vector.broadcast %max3A_710 : f32 to vector<64x64xf32>
      %max3A_712 = arith.maximumf %add3A_709, %max3A_711 : vector<64x64xf32>
      %mul3A_713 = arith.mulf %max3A_712, %max3A_712 : vector<64x64xf32>
      %dot_general3A_714 = arith.constant dense<0.000000e+00> : vector<64x1024xf32>
      %dot_general3A_715 = tpu.matmul %mul3A_713, %get3A_634, %dot_general3A_714 {dimension_numbers = #tpu.dot_dimension_numbers<[1], [0], [0], [1], [0, 0, 1, 1], [], []>, transpose_lhs_hint = false} : vector<64x64xf32>, vector<64x1024xf32>, vector<64x1024xf32> -> vector<64x1024xf32>
      %swap3A_716 = arith.index_cast %multiple_of3A_699 : i32 to index
      %swap3A_717 = arith.constant 0 : index
      %swap3A_718 = vector.load %arg6[%swap3A_716, %swap3A_717] : memref<2624x1024xf32, #tpu.memory_space<vmem>>, vector<64x1024xf32>
      tpu.vector_store %arg6[%swap3A_716, %swap3A_717], %dot_general3A_715 {strides = array<i32>} : memref<2624x1024xf32, #tpu.memory_space<vmem>>, vector<64x1024xf32>,
    }
    return
  }
  func.func @transform_0(%arg0: i32, %arg1: memref<128xi32, #tpu.memory_space<smem>>) -> (i32, i32) {
    %c0_i32 = arith.constant 0 : i32
    %c0_i32_0 = arith.constant 0 : i32
    %c0_i32_1 = arith.constant 0 : i32
    return %c0_i32, %c0_i32_0 : i32, i32
  }
  func.func @transform_1(%arg0: i32, %arg1: memref<128xi32, #tpu.memory_space<smem>>) -> (i32, i32, i32) {
    %c0_i32 = arith.constant 0 : i32
    %c0_i32_0 = arith.constant 0 : i32
    %c0_i32_1 = arith.constant 0 : i32
    return %arg0, %c0_i32, %c0_i32_0 : i32, i32, i32
  }
  func.func @transform_2(%arg0: i32, %arg1: memref<128xi32, #tpu.memory_space<smem>>) -> (i32, i32, i32) {
    %c1_i32 = arith.constant 1 : i32
    %c0_i32 = arith.constant 0 : i32
    %c0_i32_0 = arith.constant 0 : i32
    return %arg0, %c1_i32, %c0_i32 : i32, i32, i32
  }
  func.func @transform_3(%arg0: i32, %arg1: memref<128xi32, #tpu.memory_space<smem>>) -> (i32, i32, i32) {
    %c0_i32 = arith.constant 0 : i32
    %c0_i32_0 = arith.constant 0 : i32
    %c0_i32_1 = arith.constant 0 : i32
    return %arg0, %c0_i32, %c0_i32_0 : i32, i32, i32
  }
  func.func @transform_4(%arg0: i32, %arg1: memref<128xi32, #tpu.memory_space<smem>>) -> (i32, i32) {
    %c0_i32 = arith.constant 0 : i32
    %c0_i32_0 = arith.constant 0 : i32
    %c0_i32_1 = arith.constant 0 : i32
    return %c0_i32, %c0_i32_0 : i32, i32
  }
}

module attributes {stable_mosaic.version = 14 : i64} {
  func.func @_route_kernel(%arg0: memref<2048x1024xf32, #tpu.memory_space<vmem>>, %arg1: memref<64x1024xf32, #tpu.memory_space<vmem>>, %arg2: memref<1x2048xi32, #tpu.memory_space<vmem>>, %arg3: memref<64x2xi32, #tpu.memory_space<vmem>>) attributes {dimension_semantics = [], scalar_prefetch = 0 : i64, scratch_operands = 0 : i64, tpu.core_type = #tpu.core_type<tc>} {
    %get3A = arith.constant 0 : index
    %get3A_0 = arith.constant 0 : index
    %get3A_1 = vector.load %arg0[%get3A, %get3A_0] : memref<2048x1024xf32, #tpu.memory_space<vmem>>, vector<2048x1024xf32>
    %get3A_2 = arith.constant 0 : index
    %get3A_3 = arith.constant 0 : index
    %get3A_4 = vector.load %arg1[%get3A_2, %get3A_3] : memref<64x1024xf32, #tpu.memory_space<vmem>>, vector<64x1024xf32>
    %dot_general3A = arith.constant dense<0.000000e+00> : vector<64x2048xf32>
    %dot_general3A_5 = tpu.matmul %get3A_4, %get3A_1, %dot_general3A {dimension_numbers = #tpu.dot_dimension_numbers<[1], [1], [0], [0], [0, 0, 1, 0], [], []>, transpose_lhs_hint = false} : vector<64x1024xf32>, vector<2048x1024xf32>, vector<64x2048xf32> -> vector<64x2048xf32>
    %iota3A = tpu.iota {dimensions = array<i32: 0>} : vector<64x2048xi32>
    %reduce_max3A = arith.constant dense<0xFF800000> : vector<2048xf32>
    %reduce_max3A_6 = vector.multi_reduction <maximumf>, %dot_general3A_5, %reduce_max3A [0] : vector<64x2048xf32> to vector<2048xf32>
    %broadcast_in_dim3A = vector.shape_cast %reduce_max3A_6 : vector<2048xf32> to vector<1x2048xf32>
    %eq3A = vector.broadcast %broadcast_in_dim3A : vector<1x2048xf32> to vector<64x2048xf32>
    %eq3A_7 = arith.cmpf oeq, %dot_general3A_5, %eq3A : vector<64x2048xf32>
    %jit3A = arith.constant 64 : i32
    %broadcast_in_dim3A_8 = vector.broadcast %jit3A : i32 to vector<64x2048xi32>
    %select_n3A = arith.select %eq3A_7, %iota3A, %broadcast_in_dim3A_8 : vector<64x2048xi1>, vector<64x2048xi32>
    %reduce_min3A = arith.constant dense<2147483647> : vector<2048xi32>
    %reduce_min3A_9 = vector.multi_reduction <minsi>, %select_n3A, %reduce_min3A [0] : vector<64x2048xi32> to vector<2048xi32>
    %broadcast_in_dim3A_10 = vector.shape_cast %reduce_min3A_9 : vector<2048xi32> to vector<1x2048xi32>
    %eq3A_11 = vector.broadcast %broadcast_in_dim3A_10 : vector<1x2048xi32> to vector<64x2048xi32>
    %eq3A_12 = arith.cmpi eq, %iota3A, %eq3A_11 : vector<64x2048xi32>
    %convert_element_type3A = arith.extui %eq3A_12 : vector<64x2048xi1> to vector<64x2048xi32>
    %convert_element_type3A_13 = arith.sitofp %convert_element_type3A : vector<64x2048xi32> to vector<64x2048xf32>
    %broadcast_in_dim3A_14 = arith.constant 0.000000e+00 : f32
    %broadcast_in_dim3A_15 = vector.broadcast %broadcast_in_dim3A_14 : f32 to vector<64x1xf32>
    %slice3A = vector.extract_strided_slice %convert_element_type3A_13 {offsets = [0, 0], sizes = [64, 2047], strides = [1, 1]} : vector<64x2048xf32> to vector<64x2047xf32>
    %concatenate3A = tpu.concatenate %broadcast_in_dim3A_15, %slice3A in 1 : vector<64x1xf32>, vector<64x2047xf32> -> vector<64x2048xf32>
    %add3A = arith.addf %convert_element_type3A_13, %concatenate3A : vector<64x2048xf32>
    %broadcast_in_dim3A_16 = arith.constant 0.000000e+00 : f32
    %broadcast_in_dim3A_17 = vector.broadcast %broadcast_in_dim3A_16 : f32 to vector<64x2xf32>
    %slice3A_18 = vector.extract_strided_slice %add3A {offsets = [0, 0], sizes = [64, 2046], strides = [1, 1]} : vector<64x2048xf32> to vector<64x2046xf32>
    %concatenate3A_19 = tpu.concatenate %broadcast_in_dim3A_17, %slice3A_18 in 1 : vector<64x2xf32>, vector<64x2046xf32> -> vector<64x2048xf32>
    %add3A_20 = arith.addf %add3A, %concatenate3A_19 : vector<64x2048xf32>
    %broadcast_in_dim3A_21 = arith.constant 0.000000e+00 : f32
    %broadcast_in_dim3A_22 = vector.broadcast %broadcast_in_dim3A_21 : f32 to vector<64x4xf32>
    %slice3A_23 = vector.extract_strided_slice %add3A_20 {offsets = [0, 0], sizes = [64, 2044], strides = [1, 1]} : vector<64x2048xf32> to vector<64x2044xf32>
    %concatenate3A_24 = tpu.concatenate %broadcast_in_dim3A_22, %slice3A_23 in 1 : vector<64x4xf32>, vector<64x2044xf32> -> vector<64x2048xf32>
    %add3A_25 = arith.addf %add3A_20, %concatenate3A_24 : vector<64x2048xf32>
    %broadcast_in_dim3A_26 = arith.constant 0.000000e+00 : f32
    %broadcast_in_dim3A_27 = vector.broadcast %broadcast_in_dim3A_26 : f32 to vector<64x8xf32>
    %slice3A_28 = vector.extract_strided_slice %add3A_25 {offsets = [0, 0], sizes = [64, 2040], strides = [1, 1]} : vector<64x2048xf32> to vector<64x2040xf32>
    %concatenate3A_29 = tpu.concatenate %broadcast_in_dim3A_27, %slice3A_28 in 1 : vector<64x8xf32>, vector<64x2040xf32> -> vector<64x2048xf32>
    %add3A_30 = arith.addf %add3A_25, %concatenate3A_29 : vector<64x2048xf32>
    %broadcast_in_dim3A_31 = arith.constant 0.000000e+00 : f32
    %broadcast_in_dim3A_32 = vector.broadcast %broadcast_in_dim3A_31 : f32 to vector<64x16xf32>
    %slice3A_33 = vector.extract_strided_slice %add3A_30 {offsets = [0, 0], sizes = [64, 2032], strides = [1, 1]} : vector<64x2048xf32> to vector<64x2032xf32>
    %concatenate3A_34 = tpu.concatenate %broadcast_in_dim3A_32, %slice3A_33 in 1 : vector<64x16xf32>, vector<64x2032xf32> -> vector<64x2048xf32>
    %add3A_35 = arith.addf %add3A_30, %concatenate3A_34 : vector<64x2048xf32>
    %broadcast_in_dim3A_36 = arith.constant 0.000000e+00 : f32
    %broadcast_in_dim3A_37 = vector.broadcast %broadcast_in_dim3A_36 : f32 to vector<64x32xf32>
    %slice3A_38 = vector.extract_strided_slice %add3A_35 {offsets = [0, 0], sizes = [64, 2016], strides = [1, 1]} : vector<64x2048xf32> to vector<64x2016xf32>
    %concatenate3A_39 = tpu.concatenate %broadcast_in_dim3A_37, %slice3A_38 in 1 : vector<64x32xf32>, vector<64x2016xf32> -> vector<64x2048xf32>
    %add3A_40 = arith.addf %add3A_35, %concatenate3A_39 : vector<64x2048xf32>
    %broadcast_in_dim3A_41 = arith.constant 0.000000e+00 : f32
    %broadcast_in_dim3A_42 = vector.broadcast %broadcast_in_dim3A_41 : f32 to vector<64x64xf32>
    %slice3A_43 = vector.extract_strided_slice %add3A_40 {offsets = [0, 0], sizes = [64, 1984], strides = [1, 1]} : vector<64x2048xf32> to vector<64x1984xf32>
    %concatenate3A_44 = tpu.concatenate %broadcast_in_dim3A_42, %slice3A_43 in 1 : vector<64x64xf32>, vector<64x1984xf32> -> vector<64x2048xf32>
    %add3A_45 = arith.addf %add3A_40, %concatenate3A_44 : vector<64x2048xf32>
    %broadcast_in_dim3A_46 = arith.constant 0.000000e+00 : f32
    %broadcast_in_dim3A_47 = vector.broadcast %broadcast_in_dim3A_46 : f32 to vector<64x128xf32>
    %slice3A_48 = vector.extract_strided_slice %add3A_45 {offsets = [0, 0], sizes = [64, 1920], strides = [1, 1]} : vector<64x2048xf32> to vector<64x1920xf32>
    %concatenate3A_49 = tpu.concatenate %broadcast_in_dim3A_47, %slice3A_48 in 1 : vector<64x128xf32>, vector<64x1920xf32> -> vector<64x2048xf32>
    %add3A_50 = arith.addf %add3A_45, %concatenate3A_49 : vector<64x2048xf32>
    %broadcast_in_dim3A_51 = arith.constant 0.000000e+00 : f32
    %broadcast_in_dim3A_52 = vector.broadcast %broadcast_in_dim3A_51 : f32 to vector<64x256xf32>
    %slice3A_53 = vector.extract_strided_slice %add3A_50 {offsets = [0, 0], sizes = [64, 1792], strides = [1, 1]} : vector<64x2048xf32> to vector<64x1792xf32>
    %concatenate3A_54 = tpu.concatenate %broadcast_in_dim3A_52, %slice3A_53 in 1 : vector<64x256xf32>, vector<64x1792xf32> -> vector<64x2048xf32>
    %add3A_55 = arith.addf %add3A_50, %concatenate3A_54 : vector<64x2048xf32>
    %broadcast_in_dim3A_56 = arith.constant 0.000000e+00 : f32
    %broadcast_in_dim3A_57 = vector.broadcast %broadcast_in_dim3A_56 : f32 to vector<64x512xf32>
    %slice3A_58 = vector.extract_strided_slice %add3A_55 {offsets = [0, 0], sizes = [64, 1536], strides = [1, 1]} : vector<64x2048xf32> to vector<64x1536xf32>
    %concatenate3A_59 = tpu.concatenate %broadcast_in_dim3A_57, %slice3A_58 in 1 : vector<64x512xf32>, vector<64x1536xf32> -> vector<64x2048xf32>
    %add3A_60 = arith.addf %add3A_55, %concatenate3A_59 : vector<64x2048xf32>
    %broadcast_in_dim3A_61 = arith.constant 0.000000e+00 : f32
    %broadcast_in_dim3A_62 = vector.broadcast %broadcast_in_dim3A_61 : f32 to vector<64x1024xf32>
    %slice3A_63 = vector.extract_strided_slice %add3A_60 {offsets = [0, 0], sizes = [64, 1024], strides = [1, 1]} : vector<64x2048xf32> to vector<64x1024xf32>
    %concatenate3A_64 = tpu.concatenate %broadcast_in_dim3A_62, %slice3A_63 in 1 : vector<64x1024xf32>, vector<64x1024xf32> -> vector<64x2048xf32>
    %add3A_65 = arith.addf %add3A_60, %concatenate3A_64 : vector<64x2048xf32>
    %mul3A = arith.mulf %add3A_65, %convert_element_type3A_13 : vector<64x2048xf32>
    %reduce_sum3A = arith.constant dense<0.000000e+00> : vector<2048xf32>
    %reduce_sum3A_66 = vector.multi_reduction <add>, %mul3A, %reduce_sum3A [0] : vector<64x2048xf32> to vector<2048xf32>
    %broadcast_in_dim3A_67 = vector.shape_cast %reduce_sum3A_66 : vector<2048xf32> to vector<1x2048xf32>
    %sub3A = arith.constant 1.000000e+00 : f32
    %sub3A_68 = vector.broadcast %sub3A : f32 to vector<1x2048xf32>
    %sub3A_69 = arith.subf %broadcast_in_dim3A_67, %sub3A_68 : vector<1x2048xf32>
    %slice3A_70 = vector.extract_strided_slice %add3A_65 {offsets = [0, 2047], sizes = [64, 1], strides = [1, 1]} : vector<64x2048xf32> to vector<64x1xf32>
    %div3A = arith.constant 8.000000e+00 : f32
    %div3A_71 = vector.broadcast %div3A : f32 to vector<64x1xf32>
    %div3A_72 = arith.divf %slice3A_70, %div3A_71 : vector<64x1xf32>
    %ceil3A = math.ceil %div3A_72 : vector<64x1xf32>
    %mul3A_73 = arith.constant 8.000000e+00 : f32
    %mul3A_74 = vector.broadcast %mul3A_73 : f32 to vector<64x1xf32>
    %mul3A_75 = arith.mulf %ceil3A, %mul3A_74 : vector<64x1xf32>
    %iota3A_76 = tpu.iota {dimensions = array<i32: 0>} : vector<64x64xi32>
    %iota3A_77 = tpu.iota {dimensions = array<i32: 1>} : vector<64x64xi32>
    %lt3A = arith.cmpi slt, %iota3A_77, %iota3A_76 : vector<64x64xi32>
    %convert_element_type3A_78 = arith.extui %lt3A : vector<64x64xi1> to vector<64x64xi32>
    %convert_element_type3A_79 = arith.sitofp %convert_element_type3A_78 : vector<64x64xi32> to vector<64x64xf32>
    %dot_general3A_80 = arith.constant dense<0.000000e+00> : vector<64x1xf32>
    %dot_general3A_81 = tpu.matmul %convert_element_type3A_79, %mul3A_75, %dot_general3A_80 {dimension_numbers = #tpu.dot_dimension_numbers<[1], [0], [0], [1], [0, 0, 1, 1], [], []>, transpose_lhs_hint = false} : vector<64x64xf32>, vector<64x1xf32>, vector<64x1xf32> -> vector<64x1xf32>
    %mul3A_82 = vector.broadcast %dot_general3A_81 : vector<64x1xf32> to vector<64x2048xf32>
    %mul3A_83 = arith.mulf %convert_element_type3A_13, %mul3A_82 : vector<64x2048xf32>
    %reduce_sum3A_84 = arith.constant dense<0.000000e+00> : vector<2048xf32>
    %reduce_sum3A_85 = vector.multi_reduction <add>, %mul3A_83, %reduce_sum3A_84 [0] : vector<64x2048xf32> to vector<2048xf32>
    %broadcast_in_dim3A_86 = vector.shape_cast %reduce_sum3A_85 : vector<2048xf32> to vector<1x2048xf32>
    %add3A_87 = arith.addf %broadcast_in_dim3A_86, %sub3A_69 : vector<1x2048xf32>
    %convert_element_type3A_88 = arith.fptosi %add3A_87 : vector<1x2048xf32> to vector<1x2048xi32>
    %swap3A = arith.constant 0 : index
    %swap3A_89 = arith.constant 0 : index
    %swap3A_90 = vector.load %arg2[%swap3A, %swap3A_89] : memref<1x2048xi32, #tpu.memory_space<vmem>>, vector<1x2048xi32>
    tpu.vector_store %arg2[%swap3A, %swap3A_89], %convert_element_type3A_88 {strides = array<i32>} : memref<1x2048xi32, #tpu.memory_space<vmem>>, vector<1x2048xi32>,
    %concatenate3A_91 = tpu.concatenate %dot_general3A_81, %slice3A_70 in 1 : vector<64x1xf32>, vector<64x1xf32> -> vector<64x2xf32>
    %convert_element_type3A_92 = arith.fptosi %concatenate3A_91 : vector<64x2xf32> to vector<64x2xi32>
    %swap3A_93 = arith.constant 0 : index
    %swap3A_94 = arith.constant 0 : index
    %swap3A_95 = vector.load %arg3[%swap3A_93, %swap3A_94] : memref<64x2xi32, #tpu.memory_space<vmem>>, vector<64x2xi32>
    tpu.vector_store %arg3[%swap3A_93, %swap3A_94], %convert_element_type3A_92 {strides = array<i32>} : memref<64x2xi32, #tpu.memory_space<vmem>>, vector<64x2xi32>,
    return
  }
}

</mosaic_0001>

<sc_bundles>
// kernel: kernel.6.cloned.1.call-start
scs
__scs_entry_jumppad:
0x0: {  	(pc) =	sbr.rel $0x88, $3  }
0x1: {  	(tag) =	ssettag $0x0;
	lr =	simm.s32 $0x1  }
0x2: {  	[smem:$0x3F9D] =	sst lr;
	_ =	strace $0xD0000000  }
0x3: {  	_ = 	snop  }
0x4: {  	_ = 	snop  }
0x5: {  	_ = 	snop  }
0x6: {  	_ = 	snop  }
0x7: {  	_ = 	snop  }
__scs_overlays_trampoline_lowered:
0x8: {  	[smem:$0x3FAC] =	sst s0  }
0x9: {  	[smem:$0x3FAD] =	sst s1  }
0xa: {  	[smem:$0x3FAE] =	sst s2  }
0xb: {  	[smem:$0x3FAF] =	sst s3  }
0xc: {  	[smem:$0x3FB0] =	sst s4  }
0xd: {  	[smem:$0x3FB1] =	sst s5  }
0xe: {  	[smem:$0x3FB2] =	sst s6  }
0xf: {  	[smem:$0x3FB3] =	sst s7  }
0x10: {  	[smem:$0x3FB4] =	sst s8  }
0x11: {  	[smem:$0x3FB5] =	sst s9;
	s0 =	simm.s32 @!p0 $0x0  }
0x12: {  	s1 =	sld [smem:$0x3F9B];
	s0 =	simm.s32 @p0 $0x1  }
0x13: {  	[smem:$0x3FB6] =	sst s0;
	s0 =	simm.s32 @!p1 $0x0  }
0x14: {  	s2 =	sld [smem:$0x3F9A];
	s0 =	simm.s32 @p1 $0x1  }
0x15: {  	[smem:$0x3FB7] =	sst s0;
	s0 =	simm.s32 @!p2 $0x0  }
0x16: {  	s3 =	sld [smem:$0x3FDB];
	s0 =	simm.s32 @p2 $0x1  }
0x17: {  	s4 =	simm.s32 $0x1BF5;
	[smem:$0x3FB9] =	sst s0  }
0x18: {  	s0 =	sld [smem:$0x3F9C];
	_ =	swait.ge [sflag:s4], $0x0  }
0x19: {  	s7 =	sld [smem:$0x3F9D]  }
0x1a: {  	s8 =	sadd.s32 $0xFFFFE003, lr  }
0x1b: {  	s9 =	sadd.s32 $0xFFFFFEF7, lr;
	s5 =	simm.s32 $0xFFFFFFFF;
	p2 =	slt.u32 s8, $0xFFFFF086  }
0x1c: {  	p1 =	slt.u32 s9, $0xF7A;
	s5 =	simm.s32 @!p2 $0x0  }
0x1d: {  	s5 =	simm.s32 @p1 $0x1;
	p0 =	seq.s32 s7, s2  }
0x1e: {  	s7 =	smul.u32 @!p0 $0xF7A, s2;
	p2 =	seq.s32 @!p0 s5, $0x0  }
0x1f: {  	s9 =	smul.u32 $0xF7A, s1;
	s8 =	simm.s32 @!p0 $0x1BF5;
	p2 =	por !p2, p0  }
0x20: {  	[sflag:s8] =	ssyncset.s32 @!p0 $0xFFFFF086;
	s6 =	sadd.s32 @!p0 s3, s7;
	s7 =	simm.s32 @!p0 $0x108  }
0x21: {  	s3 =	sadd.s32 s3, s9;
	s6 =	sadd.s32 @!p0 $0x88, s6;
	s7 =	simm.s32 @p2 $0x1082  }
0x22: {  	[simem:s7], [sflag:s8] =	dma.local @!p0 [hbm:s6], $0xF7A  }
0x23: {  	s9 =	sor.u32 $0xD0000000, s2;
	s6 =	simm.s32 $0x108;
	_ =	swait.ge @!p0 [sflag:s8], $0x0  }
0x24: {  	s3 =	sadd.s32 $0x88, s3;
	s6 =	simm.s32 @!p1 $0x1082;
	[sflag:s4] =	ssyncset.s32 $0xFFFFF086  }
0x25: {  	[simem:s6], [sflag:s4] =	dma.local [hbm:s3], $0xF7A  }
0x26: {  	[smem:$0x3F9D] =	sst s1;
	(tag) =	ssettag s2;
	_ =	strace s9  }
0x27: {  	s1 =	sld [smem:$0x3FAD]  }
0x28: {  	s2 =	sld [smem:$0x3FAE]  }
0x29: {  	s4 =	sld [smem:$0x3FB0]  }
0x2a: {  	p0 =	seq.s32 s5, $0x0;
	s5 =	sld [smem:$0x3FB1]  }
0x2b: {  	s6 =	sld [smem:$0x3FB2]  }
0x2c: {  	s7 =	sld [smem:$0x3FB3]  }
0x2d: {  	s3 =	simm.s32 $0x108;
	s8 =	sld [smem:$0x3FB4]  }
0x2e: {  	s3 =	simm.s32 @!p0 $0x1082;
	s9 =	sld [smem:$0x3FB5]  }
0x2f: {  	lr =	sadd.s32 s0, s3;
	s0 =	sld [smem:$0x3FAC]  }
0x30: {  	s3 =	sld [smem:$0x3FAF]  }
0x31: {  	[smem:$0x3FB8] =	sst s10  }
0x32: {  	s10 =	sld [smem:$0x3FB6];
	_ =	sdelay $0x3  }
0x33: {  	p0 =	seq.s32 s10, $0x1;
	s10 =	sld [smem:$0x3FB8];
	_ =	sdelay $0x3  }
0x34: {  	[smem:$0x3FB8] =	sst s10  }
0x35: {  	s10 =	sld [smem:$0x3FB7];
	_ =	sdelay $0x3  }
0x36: {  	p1 =	seq.s32 s10, $0x1;
	s10 =	sld [smem:$0x3FB8];
	_ =	sdelay $0x3  }
0x37: {  	[smem:$0x3FB8] =	sst s10  }
0x38: {  	s10 =	sld [smem:$0x3FB9]  }
0x39: {  	_ = 	snop;
	(pc) =	sbr.ind lr, $3  }
0x3a: {  	_ = 	snop  }
0x3b: {  	_ = 	snop  }
0x3c: {  	p2 =	seq.s32 s10, $0x1;
	s10 =	sld [smem:$0x3FB8]  }
0x3d: {  	_ =	shalt  }
0x3e: {  	_ =	shalt  }
0x3f: {  	_ =	shalt  }
0x40: {  	_ =	shalt  }
0x41: {  	_ =	shalt  }
0x42: {  	_ =	shalt  }
0x43: {  	_ =	shalt  }
0x44: {  	_ =	shalt  }
0x45: {  	_ =	shalt  }
0x46: {  	_ =	shalt  }
0x47: {  	_ =	shalt  }
0x48: {  	_ =	shalt  }
0x49: {  	_ =	shalt  }
0x4a: {  	_ =	shalt  }
0x4b: {  	_ =	shalt  }
0x4c: {  	_ =	shalt  }
0x4d: {  	_ =	shalt  }
0x4e: {  	_ =	shalt  }
0x4f: {  	_ =	shalt  }
0x50: {  	_ =	shalt  }
0x51: {  	_ =	shalt  }
0x52: {  	_ =	shalt  }
0x53: {  	_ =	shalt  }
0x54: {  	_ =	shalt  }
0x55: {  	_ =	shalt  }
0x56: {  	_ =	shalt  }
0x57: {  	_ =	shalt  }
0x58: {  	_ =	shalt  }
0x59: {  	_ =	shalt  }
0x5a: {  	_ =	shalt  }
0x5b: {  	_ =	shalt  }
0x5c: {  	_ =	shalt  }
0x5d: {  	_ =	shalt  }
0x5e: {  	_ =	shalt  }
0x5f: {  	_ =	shalt  }
0x60: {  	_ =	shalt  }
0x61: {  	_ =	shalt  }
0x62: {  	_ =	shalt  }
0x63: {  	_ =	shalt  }
0x64: {  	_ =	shalt  }
0x65: {  	_ =	shalt  }
0x66: {  	_ =	shalt  }
0x67: {  	_ =	shalt  }
0x68: {  	_ =	shalt  }
0x69: {  	_ =	shalt  }
0x6a: {  	_ =	shalt  }
0x6b: {  	_ =	shalt  }
0x6c: {  	_ =	shalt  }
0x6d: {  	_ =	shalt  }
0x6e: {  	_ =	shalt  }
0x6f: {  	_ =	shalt  }
0x70: {  	_ =	shalt  }
0x71: {  	_ =	shalt  }
0x72: {  	_ =	shalt  }
0x73: {  	_ =	shalt  }
0x74: {  	_ =	shalt  }
0x75: {  	_ =	shalt  }
0x76: {  	_ =	shalt  }
0x77: {  	_ =	shalt  }
0x78: {  	_ =	shalt  }
0x79: {  	_ =	shalt  }
0x7a: {  	_ =	shalt  }
0x7b: {  	_ =	shalt  }
0x7c: {  	_ =	shalt  }
0x7d: {  	_ =	shalt  }
0x7e: {  	_ =	shalt  }
0x7f: {  	_ =	shalt  }
0x80: {  	_ =	shalt  }
0x81: {  	_ =	shalt  }
0x82: {  	_ =	shalt  }
0x83: {  	_ =	shalt  }
0x84: {  	_ =	shalt  }
0x85: {  	_ =	shalt  }
0x86: {  	_ =	shalt  }
0x87: {  	_ =	shalt  }
.Lfunc_end0:
.L_simem_size_0:
called_computation_lowered:
.L_overlay_start_0:
0x88: {  	s2 =	sld [smem:$0x3FD9]  }
0x89: {  	s3 =	sld [smem:$0x3FFE];
	_ =	sdelay $0x1  }
0x8a: {  	s1 =	srdreg.scid  }
0x8b: {  	s0 =	sand.u32 $0x1, s1  }
0x8c: {  	s17 =	sshll.u32 s0, $0xA;
	s2 =	sadd.s32 s3, s2  }
0x8d: {  	s2 =	sadd.s32 s2, s17  }
0x8e: {  	[smem:$0x3FC4] =	sst s2  }
0x8f: {  	_ = 	snop  }
0x90: {  	s2 =	sld [smem:$0x3FC9];
	(tm) =	ssettm $0x1  }
0x91: {  	s18 =	sld [smem:$0x3FFB];
	_ =	sdelay $0x3  }
0x92: {  	_ =	strace s18  }
0x93: {  	s3 =	sld [smem:$0x3FFC];
	_ =	sdelay $0x3  }
0x94: {  	_ =	strace s3  }
0x95: {  	s3 =	sld [smem:$0x3FFD];
	_ =	sdelay $0x3  }
0x96: {  	_ =	strace s3  }
0x97: {  	_ =	strace $0x8FFFFFFF  }
0x98: {  	s19 =	sld [smem:$0x3FDB];
	_ =	sdelay $0x1  }
0x99: {  	s4 =	simm.s32 $_scs_section_size  }
0x9a: {  	s5 =	simm.s32 $_size__tile_overlayer_lowered;
	s6 =	simm.s32 $_tile_overlayer_lowered  }
0x9b: {  	s22 =	simm.s32 $0x1BFF;
	s21 =	sshll.u32 s6, $0x1;
	s3 =	sadd.s32 s4, s19  }
0x9c: {  	s7 =	simm.s32 $0x0;
	s20 =	sshll.u32 s5, $0x1;
	s5 =	sadd.s32 s21, s3  }
0x9d: {  	[timem:s7], [sflag:s22] =	dma.local [hbm:s5], s20  }
0x9e: {  	_ =	swait.ge [sflag:s22], s20  }
0x9f: {  	s4 =	ssub.s32 $0x0, s20;
	[sflag:s22] =	ssyncset.done $0x0  }
0xa0: {  	[sflag:s22] =	ssyncadd.s32 s4;
	_ =	sdelay $0x1  }
0xa1: {  	s23 =	simm.s32 $0x1B8B  }
0xa2: {  	_ =	swait.ge [sflag:s23], $0x1  }
0xa3: {  	[sflag:s23] =	ssyncset.done $0x0  }
0xa4: {  	s25 =	simm.s32 $0x1B8E;
	s24 =	sld [smem:$0x3FFE];
	[sflag:s23] =	ssyncadd.s32 $0xFFFFFFFF  }
0xa5: {  	s26 =	simm.s32 $execute0_lowered;
	[smem:$0x3FD2] =	sst s25  }
0xa6: {  	s5 =	sshll.u32 s26, $0x1;
	_ =	strace $0x80000046;
	[dreg:$0x1] =	wrdreg $0xFFFFFFFF  }
0xa7: {  	s28 =	simm.s32 $_size_execute0_lowered;
	s3 =	sadd.s32 s3, s5;
	[dreg:$0x0] =	wrdreg $0x0  }
0xa8: {  	s5 =	sshll.u32 s28, $0x1;
	[dreg:$0x2] =	wrdreg s3  }
0xa9: {  	[dreg:$0x3] =	wrdreg s5  }
0xaa: {  	[dreg:$0x4] =	wrdreg $0xC0  }
0xab: {  	_ =	task [dreg:s7], $0x5FFFF  }
0xac: {  	[dreg:$0x1] =	wrdreg $0xFFFFFFFF  }
0xad: {  	[dreg:$0x0] =	wrdreg $0x60  }
0xae: {  	[dreg:$0x2] =	wrdreg s2  }
0xaf: {  	[dreg:$0x3] =	wrdreg s24  }
0xb0: {  	[dreg:$0x4] =	wrdreg $0x9  }
0xb1: {  	_ =	task.clear_ibuf [dreg:s7], $0x5FFFF;
	_ =	strace $0x90000046  }
0xb2: {  	s29 =	simm.s32 $0x9;
	_ =	strace $0x80000048  }
0xb3: {  	_ =	swait.ge [sflag:s29], $0x1  }
0xb4: {  	[sflag:s29] =	ssyncadd.s32 $0xFFFFFFFF  }
0xb5: {  	_ =	strace $0x90000048  }
0xb6: {  	_ =	sfence  }
0xb7: {  	s30 =	sld [smem:$0x0];
	_ =	sdelay $0x2  }
0xb8: {  	s31 =	sshll.u32 s1, $0xD;
	s1 =	sshrl.u32 s1, $0x2  }
0xb9: {  	s3 =	sand.u32 $0x4000, s31;
	s1 =	sadd.s32 s1, s30  }
0xba: {  	s0 =	sor.u32 s3, s0;
	s1 =	sshll.u32 s1, $0x11  }
0xbb: {  	s0 =	sor.u32 s1, s0  }
0xbc: {  	s0 =	sadd.s32 $0x8F2B, s0  }
0xbd: {  	[sflag:s0] =	ssyncadd.remote.s32 $0x1  }
0xbe: {  	_ =	sfence.sel $0xFFFF  }
0xbf: {  	[dreg:$0x0] =	wrdreg $0xFFFFFFFF;
	(pc) =	sbr.abs _section_cstart, $3  }
0xc0: {  	[dreg:$0x1] =	wrdreg $0xFFFFFFFF  }
0xc1: {  	_ =	task.clear_ibuf [dreg:s7], $0x2FFFF;
	_ =	strace $0x9FFFFFFF  }
0xc2: {  	(tm) =	ssettm $0x7FFFFFFF  }
0xc3: {  	_ =	shalt  }
tec
execute0_lowered:
.L_overlay_start_1:
0x0: {  	(tag) =	ssettag $0x1  }
0x1: {  	s1 =	srdreg.scid  }
0x2: {  	s0 =	stileid.u32;
	s3 =	rddreg [dreg:$0x0]  }
0x3: {  	s6 =	rddreg [dreg:$0x1];
	s18 =	simm.s32 $0x880;
	s19 =	simm.s32 $0x1080  }
0x4: {  	s20 =	simm.s32 $0x1880;
	s22 =	simm.s32 $0x2080;
	s23 =	simm.s32 $0x2880  }
0x5: {  	s7 =	simm.s32 $0x3080;
	s24 =	simm.s32 $0x3880;
	s8 =	simm.s32 $0x4080  }
0x6: {  	s25 =	simm.s32 $0x4880;
	s26 =	simm.s32 $0x5080;
	s1 =	sand.u32 $0x1, s1  }
0x7: {  	s9 =	simm.s32 $0x80;
	s2 =	sshll.u32 s0, $0x7;
	s4 =	sshll.u32 s1, $0x6  }
0x8: {  	s11 =	simm.s32 $0x6080;
	s4 =	sor.u32 s4, s2;
	s2 =	simm.s32 $0x0  }
0x9: {  	s12 =	simm.s32 $0x6880;
	s13 =	simm.s32 $0x7080;
	[smem:$0x7FF] =	sst s2  }
0xa: {  	s14 =	simm.s32 $0x7880;
	_ =	strace $0x80000047;
	[dreg:$0x5] =	wrdreg s18  }
0xb: {  	s15 =	simm.s32 $0x8080;
	s16 =	simm.s32 $0x8880;
	[dreg:$0x6] =	wrdreg s19  }
0xc: {  	s17 =	simm.s32 $0x9080;
	s28 =	simm.s32 $0xE080;
	[dreg:$0x7] =	wrdreg s20  }
0xd: {  	s29 =	simm.s32 $0xE880;
	s30 =	simm.s32 $0xF080;
	[dreg:$0x8] =	wrdreg s22  }
0xe: {  	s31 =	simm.s32 $0xF880;
	s1 =	ssub.s32 $0x2, s1;
	[dreg:$0x9] =	wrdreg s23  }
0xf: {  	s21 =	sshrl.u32 s1, $0x1;
	s5 =	sshrl.u32 s4, $0x3;
	[dreg:$0xa] =	wrdreg s7  }
0x10: {  	s4 =	sshll.u32 s4, $0x7;
	s1 =	ssub.s32 s1, s21;
	[dreg:$0xb] =	wrdreg s24  }
0x11: {  	s21 =	simm.s32 $0xB080;
	s5 =	sadd.s32 s5, s6;
	[dreg:$0xc] =	wrdreg s8  }
0x12: {  	s3 =	sadd.s32 s3, s4;
	s4 =	sadd.s32 $0x2700, s6;
	[dreg:$0xd] =	wrdreg s25  }
0x13: {  	s7 =	smax.u32 s1, $0x1;
	s8 =	simm.s32 $0x2;
	[dreg:$0xe] =	wrdreg s26  }
0x14: {  	s18 =	simm.s32 $0x9880;
	s19 =	simm.s32 $0xA080;
	s20 =	simm.s32 $0xA880  }
0x15: {  	s22 =	simm.s32 $0xB880;
	s23 =	simm.s32 $0xC080;
	s24 =	simm.s32 $0xC880  }
0x16: {  	v2 =	vlaneseq.u32;
	s25 =	simm.s32 $0xD080;
	s26 =	simm.s32 $0xD880;
	s1 =	simm.s32 $0x1  }
0x17: {  	vm0 =	vmmov $0xffff;
	v1 =	vshrl.u32 v2, $0x3;
	s5 =	sadd.s32 $0x2400, s5;
	[dreg:$0x4] =	wrdreg s3;
	s3 =	sadd.s32 $0x2600, s6  }
0x18: {  	v0 =	vand.u32 $0x7, v2;
	v2 =	vor.u32 $0x8, v2;
	v1 =	vmul.u32 $0x8, v1;
	[dreg:$0x3] =	wrdreg s5;
	s5 =	sadd.s32 $0x2800, s6;
	s6 =	sadd.s32 $0x2900, s6  }
.LBB2_1:
0x19: {  	s0 =	rddreg [dreg:$0x3]  }
0x1a: {  	[tilespmem:s2], [sflag:$0x2] =	stream.linear.gather [hbm4b:s0+s2], $0x40, $0x38;
	[tilespmem:$0x10080] =	vst v63  }
0x1b: {  	_ =	swait.ge [sflag:s8], $0x40  }
0x1c: {  	[sflag:s8] =	ssyncset.done $0x0  }
0x1d: {  	s10 =	rddreg [dreg:$0x4];
	[sflag:s8] =	ssyncadd.s32 $0xFFFFFFC0  }
0x1e: {  	[tilespmem:s9], [sflag:$0x2] =	stream.linear.gather [hbm4b:s10+s2], $0x10000, $0x38;
	[tilespmem:$0x10080] =	vst v63  }
0x1f: {  	_ =	swait.ge [sflag:s8], $0x10000  }
0x20: {  	[sflag:s8] =	ssyncset.done $0x0  }
0x21: {  	[sflag:s8] =	ssyncadd.s32 $0xFFFF0000  }
0x22: {  	v3 =	vld [tilespmem:$0x0];
	_ =	sdelay $0x4  }
0x23: {  	v4 =	vshll.u32 v3, $0x3  }
0x24: {  	v3 =	vand.u32 $0x7, v3;
	v4 =	vand.u32 $0xFFFFFFC0, v4  }
0x25: {  	v3 =	vor.u32 v3, v4  }
0x26: {  	v4 =	vperm.xlane v3, v0;
	_ =	sdelay $0x1  }
0x27: {  	v4 =	vadd.s32 v1, v4;
	_ =	sdelay $0x4  }
0x28: {  	[hbm4b:s3+s2] =	stream.indirect_vreg.scatter [tilespmem:s9], [sflag:$0x1], $0x80, v4, vm0, $0xb8;
	[tilespmem:$0x10080] =	vst v63  }
0x29: {  	s0 =	rddreg [dreg:$0x5];
	v3 =	vperm.xlane v3, v2  }
0x2a: {  	[hbm4b:s4+s2] =	stream.indirect_vreg.scatter [tilespmem:s0], [sflag:$0x1], $0x80, v4, vm0, $0xb8;
	[tilespmem:$0x10080] =	vst v63  }
0x2b: {  	s10 =	rddreg [dreg:$0x6];
	v3 =	vadd.s32 v1, v3  }
0x2c: {  	[hbm4b:s5+s2] =	stream.indirect_vreg.scatter [tilespmem:s10], [sflag:$0x1], $0x80, v4, vm0, $0xb8;
	[tilespmem:$0x10080] =	vst v63  }
0x2d: {  	s0 =	rddreg [dreg:$0x7]  }
0x2e: {  	[hbm4b:s6+s2] =	stream.indirect_vreg.scatter [tilespmem:s0], [sflag:$0x1], $0x80, v4, vm0, $0xb8;
	[tilespmem:$0x10080] =	vst v63  }
0x2f: {  	s10 =	rddreg [dreg:$0x8]  }
0x30: {  	[hbm4b:s3+s2] =	stream.indirect_vreg.scatter [tilespmem:s10], [sflag:$0x1], $0x80, v3, vm0, $0xb8;
	[tilespmem:$0x10080] =	vst v63  }
0x31: {  	s0 =	rddreg [dreg:$0x9]  }
0x32: {  	[hbm4b:s4+s2] =	stream.indirect_vreg.scatter [tilespmem:s0], [sflag:$0x1], $0x80, v3, vm0, $0xb8;
	[tilespmem:$0x10080] =	vst v63  }
0x33: {  	s10 =	rddreg [dreg:$0xa]  }
0x34: {  	[hbm4b:s5+s2] =	stream.indirect_vreg.scatter [tilespmem:s10], [sflag:$0x1], $0x80, v3, vm0, $0xb8;
	[tilespmem:$0x10080] =	vst v63  }
0x35: {  	s0 =	rddreg [dreg:$0xb]  }
0x36: {  	[hbm4b:s6+s2] =	stream.indirect_vreg.scatter [tilespmem:s0], [sflag:$0x1], $0x80, v3, vm0, $0xb8;
	[tilespmem:$0x10080] =	vst v63  }
0x37: {  	v3 =	vld [tilespmem:$0x10];
	_ =	sdelay $0x4  }
0x38: {  	v61 =	vshll.u32 v3, $0x3  }
0x39: {  	v3 =	vand.u32 $0x7, v3;
	v4 =	vand.u32 $0xFFFFFFC0, v61  }
0x3a: {  	v3 =	vor.u32 v3, v4  }
0x3b: {  	v4 =	vperm.xlane v3, v0;
	_ =	sdelay $0x1  }
0x3c: {  	v4 =	vadd.s32 v1, v4;
	_ =	sdelay $0x3  }
0x3d: {  	s0 =	rddreg [dreg:$0xc]  }
0x3e: {  	[hbm4b:s3+s2] =	stream.indirect_vreg.scatter [tilespmem:s0], [sflag:$0x1], $0x80, v4, vm0, $0xb8;
	[tilespmem:$0x10080] =	vst v63  }
0x3f: {  	s10 =	rddreg [dreg:$0xd];
	v3 =	vperm.xlane v3, v2  }
0x40: {  	[hbm4b:s4+s2] =	stream.indirect_vreg.scatter [tilespmem:s10], [sflag:$0x1], $0x80, v4, vm0, $0xb8;
	[tilespmem:$0x10080] =	vst v63  }
0x41: {  	v3 =	vadd.s32 v1, v3;
	s0 =	rddreg [dreg:$0xe]  }
0x42: {  	[hbm4b:s5+s2] =	stream.indirect_vreg.scatter [tilespmem:s0], [sflag:$0x1], $0x80, v4, vm0, $0xb8;
	[tilespmem:$0x10080] =	vst v63  }
0x43: {  	s10 =	simm.s32 $0x5880  }
0x44: {  	[hbm4b:s6+s2] =	stream.indirect_vreg.scatter [tilespmem:s10], [sflag:$0x1], $0x80, v4, vm0, $0xb8;
	[tilespmem:$0x10080] =	vst v63  }
0x45: {  	_ = 	snop  }
0x46: {  	[hbm4b:s3+s2] =	stream.indirect_vreg.scatter [tilespmem:s11], [sflag:$0x1], $0x80, v3, vm0, $0xb8;
	[tilespmem:$0x10080] =	vst v63  }
0x47: {  	_ = 	snop  }
0x48: {  	[hbm4b:s4+s2] =	stream.indirect_vreg.scatter [tilespmem:s12], [sflag:$0x1], $0x80, v3, vm0, $0xb8;
	[tilespmem:$0x10080] =	vst v63  }
0x49: {  	_ = 	snop  }
0x4a: {  	[hbm4b:s5+s2] =	stream.indirect_vreg.scatter [tilespmem:s13], [sflag:$0x1], $0x80, v3, vm0, $0xb8;
	[tilespmem:$0x10080] =	vst v63  }
0x4b: {  	_ = 	snop  }
0x4c: {  	[hbm4b:s6+s2] =	stream.indirect_vreg.scatter [tilespmem:s14], [sflag:$0x1], $0x80, v3, vm0, $0xb8;
	[tilespmem:$0x10080] =	vst v63  }
0x4d: {  	v3 =	vld [tilespmem:$0x20];
	_ =	sdelay $0x4  }
0x4e: {  	v62 =	vshll.u32 v3, $0x3  }
0x4f: {  	v3 =	vand.u32 $0x7, v3;
	v4 =	vand.u32 $0xFFFFFFC0, v62  }
0x50: {  	v3 =	vor.u32 v3, v4  }
0x51: {  	v4 =	vperm.xlane v3, v0;
	_ =	sdelay $0x1  }
0x52: {  	v4 =	vadd.s32 v1, v4;
	_ =	sdelay $0x4  }
0x53: {  	[hbm4b:s3+s2] =	stream.indirect_vreg.scatter [tilespmem:s15], [sflag:$0x1], $0x80, v4, vm0, $0xb8;
	[tilespmem:$0x10080] =	vst v63  }
0x54: {  	v3 =	vperm.xlane v3, v2  }
0x55: {  	[hbm4b:s4+s2] =	stream.indirect_vreg.scatter [tilespmem:s16], [sflag:$0x1], $0x80, v4, vm0, $0xb8;
	[tilespmem:$0x10080] =	vst v63  }
0x56: {  	v3 =	vadd.s32 v1, v3  }
0x57: {  	[hbm4b:s5+s2] =	stream.indirect_vreg.scatter [tilespmem:s17], [sflag:$0x1], $0x80, v4, vm0, $0xb8;
	[tilespmem:$0x10080] =	vst v63  }
0x58: {  	_ = 	snop  }
0x59: {  	[hbm4b:s6+s2] =	stream.indirect_vreg.scatter [tilespmem:s18], [sflag:$0x1], $0x80, v4, vm0, $0xb8;
	[tilespmem:$0x10080] =	vst v63  }
0x5a: {  	_ = 	snop  }
0x5b: {  	[hbm4b:s3+s2] =	stream.indirect_vreg.scatter [tilespmem:s19], [sflag:$0x1], $0x80, v3, vm0, $0xb8;
	[tilespmem:$0x10080] =	vst v63  }
0x5c: {  	_ = 	snop  }
0x5d: {  	[hbm4b:s4+s2] =	stream.indirect_vreg.scatter [tilespmem:s20], [sflag:$0x1], $0x80, v3, vm0, $0xb8;
	[tilespmem:$0x10080] =	vst v63  }
0x5e: {  	_ = 	snop  }
0x5f: {  	[hbm4b:s5+s2] =	stream.indirect_vreg.scatter [tilespmem:s21], [sflag:$0x1], $0x80, v3, vm0, $0xb8;
	[tilespmem:$0x10080] =	vst v63  }
0x60: {  	_ = 	snop  }
0x61: {  	[hbm4b:s6+s2] =	stream.indirect_vreg.scatter [tilespmem:s22], [sflag:$0x1], $0x80, v3, vm0, $0xb8;
	[tilespmem:$0x10080] =	vst v63  }
0x62: {  	v3 =	vld [tilespmem:$0x30];
	_ =	sdelay $0x4  }
0x63: {  	v63 =	vshll.u32 v3, $0x3  }
0x64: {  	v3 =	vand.u32 $0x7, v3;
	v4 =	vand.u32 $0xFFFFFFC0, v63  }
0x65: {  	v3 =	vor.u32 v3, v4  }
0x66: {  	v4 =	vperm.xlane v3, v0;
	_ =	sdelay $0x1  }
0x67: {  	v4 =	vadd.s32 v1, v4;
	_ =	sdelay $0x4  }
0x68: {  	[hbm4b:s3+s2] =	stream.indirect_vreg.scatter [tilespmem:s23], [sflag:$0x1], $0x80, v4, vm0, $0xb8;
	[tilespmem:$0x10080] =	vst v63  }
0x69: {  	v3 =	vperm.xlane v3, v2  }
0x6a: {  	[hbm4b:s4+s2] =	stream.indirect_vreg.scatter [tilespmem:s24], [sflag:$0x1], $0x80, v4, vm0, $0xb8;
	[tilespmem:$0x10080] =	vst v63  }
0x6b: {  	v3 =	vadd.s32 v1, v3  }
0x6c: {  	[hbm4b:s5+s2] =	stream.indirect_vreg.scatter [tilespmem:s25], [sflag:$0x1], $0x80, v4, vm0, $0xb8;
	[tilespmem:$0x10080] =	vst v63  }
0x6d: {  	_ = 	snop  }
0x6e: {  	[hbm4b:s6+s2] =	stream.indirect_vreg.scatter [tilespmem:s26], [sflag:$0x1], $0x80, v4, vm0, $0xb8;
	[tilespmem:$0x10080] =	vst v63  }
0x6f: {  	_ = 	snop  }
0x70: {  	[hbm4b:s3+s2] =	stream.indirect_vreg.scatter [tilespmem:s28], [sflag:$0x1], $0x80, v3, vm0, $0xb8;
	[tilespmem:$0x10080] =	vst v63  }
0x71: {  	_ = 	snop  }
0x72: {  	[hbm4b:s4+s2] =	stream.indirect_vreg.scatter [tilespmem:s29], [sflag:$0x1], $0x80, v3, vm0, $0xb8;
	[tilespmem:$0x10080] =	vst v63  }
0x73: {  	p0 =	sne.s32 s7, $0x1  }
0x74: {  	[hbm4b:s5+s2] =	stream.indirect_vreg.scatter [tilespmem:s30], [sflag:$0x1], $0x80, v3, vm0, $0xb8;
	[tilespmem:$0x10080] =	vst v63  }
.Ltmp0:
0x75: {  	_ = 	snop;
	(pc) =	sbr.rel @p0 .LBB2_1-.Ltmp0, $4  }
0x76: {  	[hbm4b:s6+s2] =	stream.indirect_vreg.scatter [tilespmem:s31], [sflag:$0x1], $0x80, v3, vm0, $0xb8;
	[tilespmem:$0x10080] =	vst v63  }
0x77: {  	_ =	swait.ge [sflag:s1], $0x10000  }
0x78: {  	[sflag:s1] =	ssyncset.done $0x0  }
0x79: {  	s7 =	sadd.s32 $0xFFFFFFFF, s7;
	[sflag:s1] =	ssyncadd.s32 $0xFFFF0000  }
0x7a: {  	_ =	sfence.sel $0x180000  }
0x7b: {  	[bflag:$0x0] =	sbarrier.arrive $0xFFFF  }
0x7c: {  	_ =	strace $0x90000047  }
0x7d: {  	s0 =	stileid.u32;
	[bflag:$0x2] =	sbarrier.arrive $0xFFFF  }
0x7e: {  	p0 =	sne.s32 s0, $0x0;
	s0 =	rddreg [dreg:$0x2]  }
0x7f: {  	s0 =	sadd.s32 @!p0 $0x100000, s0  }
0x80: {  	[sflag:s0] =	ssyncadd.tile.s32 @!p0 $0x1;
	_ =	shalt  }
.Lfunc_end2:
_tile_overlayer_lowered:
.L_overlay_start_2:
0x81: {  	(tag) =	ssettag $0x2  }
0x82: {  	s0 =	rddreg [dreg:$0x0];
	s2 =	stileid.u32  }
0x83: {  	s1 =	rddreg [dreg:$0x1];
	p0 =	sne.s32 s2, $0x0  }
0x84: {  	s3 =	rddreg [dreg:$0x2];
	[bflag:$0x3] =	sbarrier.arrive $0xFFFF;
	s2 =	simm.s32 @!p0 $0x1C02  }
0x85: {  	[timem:s3], [sflag:s2] =	dma.local @!p0 [hbm:s0], s1  }
0x86: {  	s0 =	simm.s32 @!p0 $0x2  }
0x87: {  	_ =	swait.ge @!p0 [sflag:s0], s1  }
0x88: {  	s1 =	ssub.s32 @!p0 $0x0, s1;
	[sflag:s0] =	ssyncset.done @!p0 $0x0  }
0x89: {  	[sflag:s0] =	ssyncadd.s32 @!p0 s1  }
0x8a: {  	[bflag:$0x3] =	sbarrier.arrive $0xFFFF  }
0x8b: {  	_ =	shalt  }

// kernel: kernel.9.cloned.1.call-start
scs
__scs_entry_jumppad:
0x0: {  	(pc) =	sbr.rel $0x88, $3  }
0x1: {  	(tag) =	ssettag $0x0;
	lr =	simm.s32 $0x1  }
0x2: {  	[smem:$0x3F9D] =	sst lr;
	_ =	strace $0xD0000000  }
0x3: {  	_ = 	snop  }
0x4: {  	_ = 	snop  }
0x5: {  	_ = 	snop  }
0x6: {  	_ = 	snop  }
0x7: {  	_ = 	snop  }
__scs_overlays_trampoline_lowered:
0x8: {  	[smem:$0x3FAC] =	sst s0  }
0x9: {  	[smem:$0x3FAD] =	sst s1  }
0xa: {  	[smem:$0x3FAE] =	sst s2  }
0xb: {  	[smem:$0x3FAF] =	sst s3  }
0xc: {  	[smem:$0x3FB0] =	sst s4  }
0xd: {  	[smem:$0x3FB1] =	sst s5  }
0xe: {  	[smem:$0x3FB2] =	sst s6  }
0xf: {  	[smem:$0x3FB3] =	sst s7  }
0x10: {  	[smem:$0x3FB4] =	sst s8  }
0x11: {  	[smem:$0x3FB5] =	sst s9;
	s0 =	simm.s32 @!p0 $0x0  }
0x12: {  	s1 =	sld [smem:$0x3F9B];
	s0 =	simm.s32 @p0 $0x1  }
0x13: {  	[smem:$0x3FB6] =	sst s0;
	s0 =	simm.s32 @!p1 $0x0  }
0x14: {  	s2 =	sld [smem:$0x3F9A];
	s0 =	simm.s32 @p1 $0x1  }
0x15: {  	[smem:$0x3FB7] =	sst s0;
	s0 =	simm.s32 @!p2 $0x0  }
0x16: {  	s3 =	sld [smem:$0x3FDB];
	s0 =	simm.s32 @p2 $0x1  }
0x17: {  	s4 =	simm.s32 $0x1BF5;
	[smem:$0x3FB9] =	sst s0  }
0x18: {  	s0 =	sld [smem:$0x3F9C];
	_ =	swait.ge [sflag:s4], $0x0  }
0x19: {  	s7 =	sld [smem:$0x3F9D]  }
0x1a: {  	s8 =	sadd.s32 $0xFFFFE003, lr  }
0x1b: {  	s9 =	sadd.s32 $0xFFFFFEF7, lr;
	s5 =	simm.s32 $0xFFFFFFFF;
	p2 =	slt.u32 s8, $0xFFFFF086  }
0x1c: {  	p1 =	slt.u32 s9, $0xF7A;
	s5 =	simm.s32 @!p2 $0x0  }
0x1d: {  	s5 =	simm.s32 @p1 $0x1;
	p0 =	seq.s32 s7, s2  }
0x1e: {  	s7 =	smul.u32 @!p0 $0xF7A, s2;
	p2 =	seq.s32 @!p0 s5, $0x0  }
0x1f: {  	s9 =	smul.u32 $0xF7A, s1;
	s8 =	simm.s32 @!p0 $0x1BF5;
	p2 =	por !p2, p0  }
0x20: {  	[sflag:s8] =	ssyncset.s32 @!p0 $0xFFFFF086;
	s6 =	sadd.s32 @!p0 s3, s7;
	s7 =	simm.s32 @!p0 $0x108  }
0x21: {  	s3 =	sadd.s32 s3, s9;
	s6 =	sadd.s32 @!p0 $0x88, s6;
	s7 =	simm.s32 @p2 $0x1082  }
0x22: {  	[simem:s7], [sflag:s8] =	dma.local @!p0 [hbm:s6], $0xF7A  }
0x23: {  	s9 =	sor.u32 $0xD0000000, s2;
	s6 =	simm.s32 $0x108;
	_ =	swait.ge @!p0 [sflag:s8], $0x0  }
0x24: {  	s3 =	sadd.s32 $0x88, s3;
	s6 =	simm.s32 @!p1 $0x1082;
	[sflag:s4] =	ssyncset.s32 $0xFFFFF086  }
0x25: {  	[simem:s6], [sflag:s4] =	dma.local [hbm:s3], $0xF7A  }
0x26: {  	[smem:$0x3F9D] =	sst s1;
	(tag) =	ssettag s2;
	_ =	strace s9  }
0x27: {  	s1 =	sld [smem:$0x3FAD]  }
0x28: {  	s2 =	sld [smem:$0x3FAE]  }
0x29: {  	s4 =	sld [smem:$0x3FB0]  }
0x2a: {  	p0 =	seq.s32 s5, $0x0;
	s5 =	sld [smem:$0x3FB1]  }
0x2b: {  	s6 =	sld [smem:$0x3FB2]  }
0x2c: {  	s7 =	sld [smem:$0x3FB3]  }
0x2d: {  	s3 =	simm.s32 $0x108;
	s8 =	sld [smem:$0x3FB4]  }
0x2e: {  	s3 =	simm.s32 @!p0 $0x1082;
	s9 =	sld [smem:$0x3FB5]  }
0x2f: {  	lr =	sadd.s32 s0, s3;
	s0 =	sld [smem:$0x3FAC]  }
0x30: {  	s3 =	sld [smem:$0x3FAF]  }
0x31: {  	[smem:$0x3FB8] =	sst s10  }
0x32: {  	s10 =	sld [smem:$0x3FB6];
	_ =	sdelay $0x3  }
0x33: {  	p0 =	seq.s32 s10, $0x1;
	s10 =	sld [smem:$0x3FB8];
	_ =	sdelay $0x3  }
0x34: {  	[smem:$0x3FB8] =	sst s10  }
0x35: {  	s10 =	sld [smem:$0x3FB7];
	_ =	sdelay $0x3  }
0x36: {  	p1 =	seq.s32 s10, $0x1;
	s10 =	sld [smem:$0x3FB8];
	_ =	sdelay $0x3  }
0x37: {  	[smem:$0x3FB8] =	sst s10  }
0x38: {  	s10 =	sld [smem:$0x3FB9]  }
0x39: {  	_ = 	snop;
	(pc) =	sbr.ind lr, $3  }
0x3a: {  	_ = 	snop  }
0x3b: {  	_ = 	snop  }
0x3c: {  	p2 =	seq.s32 s10, $0x1;
	s10 =	sld [smem:$0x3FB8]  }
0x3d: {  	_ =	shalt  }
0x3e: {  	_ =	shalt  }
0x3f: {  	_ =	shalt  }
0x40: {  	_ =	shalt  }
0x41: {  	_ =	shalt  }
0x42: {  	_ =	shalt  }
0x43: {  	_ =	shalt  }
0x44: {  	_ =	shalt  }
0x45: {  	_ =	shalt  }
0x46: {  	_ =	shalt  }
0x47: {  	_ =	shalt  }
0x48: {  	_ =	shalt  }
0x49: {  	_ =	shalt  }
0x4a: {  	_ =	shalt  }
0x4b: {  	_ =	shalt  }
0x4c: {  	_ =	shalt  }
0x4d: {  	_ =	shalt  }
0x4e: {  	_ =	shalt  }
0x4f: {  	_ =	shalt  }
0x50: {  	_ =	shalt  }
0x51: {  	_ =	shalt  }
0x52: {  	_ =	shalt  }
0x53: {  	_ =	shalt  }
0x54: {  	_ =	shalt  }
0x55: {  	_ =	shalt  }
0x56: {  	_ =	shalt  }
0x57: {  	_ =	shalt  }
0x58: {  	_ =	shalt  }
0x59: {  	_ =	shalt  }
0x5a: {  	_ =	shalt  }
0x5b: {  	_ =	shalt  }
0x5c: {  	_ =	shalt  }
0x5d: {  	_ =	shalt  }
0x5e: {  	_ =	shalt  }
0x5f: {  	_ =	shalt  }
0x60: {  	_ =	shalt  }
0x61: {  	_ =	shalt  }
0x62: {  	_ =	shalt  }
0x63: {  	_ =	shalt  }
0x64: {  	_ =	shalt  }
0x65: {  	_ =	shalt  }
0x66: {  	_ =	shalt  }
0x67: {  	_ =	shalt  }
0x68: {  	_ =	shalt  }
0x69: {  	_ =	shalt  }
0x6a: {  	_ =	shalt  }
0x6b: {  	_ =	shalt  }
0x6c: {  	_ =	shalt  }
0x6d: {  	_ =	shalt  }
0x6e: {  	_ =	shalt  }
0x6f: {  	_ =	shalt  }
0x70: {  	_ =	shalt  }
0x71: {  	_ =	shalt  }
0x72: {  	_ =	shalt  }
0x73: {  	_ =	shalt  }
0x74: {  	_ =	shalt  }
0x75: {  	_ =	shalt  }
0x76: {  	_ =	shalt  }
0x77: {  	_ =	shalt  }
0x78: {  	_ =	shalt  }
0x79: {  	_ =	shalt  }
0x7a: {  	_ =	shalt  }
0x7b: {  	_ =	shalt  }
0x7c: {  	_ =	shalt  }
0x7d: {  	_ =	shalt  }
0x7e: {  	_ =	shalt  }
0x7f: {  	_ =	shalt  }
0x80: {  	_ =	shalt  }
0x81: {  	_ =	shalt  }
0x82: {  	_ =	shalt  }
0x83: {  	_ =	shalt  }
0x84: {  	_ =	shalt  }
0x85: {  	_ =	shalt  }
0x86: {  	_ =	shalt  }
0x87: {  	_ =	shalt  }
.Lfunc_end0:
.L_simem_size_0:
called_computation.1_lowered:
.L_overlay_start_0:
0x88: {  	s2 =	sld [smem:$0x3FD9]  }
0x89: {  	s3 =	sld [smem:$0x3FFE];
	_ =	sdelay $0x1  }
0x8a: {  	s1 =	srdreg.scid  }
0x8b: {  	s0 =	sand.u32 $0x1, s1  }
0x8c: {  	s17 =	sshll.u32 s0, $0xA;
	s2 =	sadd.s32 s3, s2  }
0x8d: {  	s2 =	sadd.s32 s2, s17  }
0x8e: {  	[smem:$0x3FC4] =	sst s2  }
0x8f: {  	_ = 	snop  }
0x90: {  	s2 =	sld [smem:$0x3FD0];
	(tm) =	ssettm $0x1  }
0x91: {  	s18 =	sld [smem:$0x3FFB];
	_ =	sdelay $0x3  }
0x92: {  	_ =	strace s18  }
0x93: {  	s3 =	sld [smem:$0x3FFC];
	_ =	sdelay $0x3  }
0x94: {  	_ =	strace s3  }
0x95: {  	s3 =	sld [smem:$0x3FFD];
	_ =	sdelay $0x3  }
0x96: {  	_ =	strace s3  }
0x97: {  	_ =	strace $0x8FFFFFFF  }
0x98: {  	s19 =	sld [smem:$0x3FDB];
	_ =	sdelay $0x1  }
0x99: {  	s4 =	simm.s32 $_scs_section_size  }
0x9a: {  	s5 =	simm.s32 $_size__tile_overlayer_lowered;
	s6 =	simm.s32 $_tile_overlayer_lowered  }
0x9b: {  	s22 =	simm.s32 $0x1BFF;
	s21 =	sshll.u32 s6, $0x1;
	s3 =	sadd.s32 s4, s19  }
0x9c: {  	s7 =	simm.s32 $0x0;
	s20 =	sshll.u32 s5, $0x1;
	s5 =	sadd.s32 s21, s3  }
0x9d: {  	[timem:s7], [sflag:s22] =	dma.local [hbm:s5], s20  }
0x9e: {  	_ =	swait.ge [sflag:s22], s20  }
0x9f: {  	s4 =	ssub.s32 $0x0, s20;
	[sflag:s22] =	ssyncset.done $0x0  }
0xa0: {  	[sflag:s22] =	ssyncadd.s32 s4;
	_ =	sdelay $0x1  }
0xa1: {  	s23 =	simm.s32 $0x1B8B  }
0xa2: {  	_ =	swait.ge [sflag:s23], $0x1  }
0xa3: {  	[sflag:s23] =	ssyncset.done $0x0  }
0xa4: {  	s25 =	simm.s32 $0x1B8E;
	s24 =	sld [smem:$0x3FFE];
	[sflag:s23] =	ssyncadd.s32 $0xFFFFFFFF  }
0xa5: {  	s26 =	simm.s32 $execute0_lowered;
	[smem:$0x3FD2] =	sst s25  }
0xa6: {  	s5 =	sshll.u32 s26, $0x1;
	_ =	strace $0x80000049;
	[dreg:$0x1] =	wrdreg $0xFFFFFFFF  }
0xa7: {  	s28 =	simm.s32 $_size_execute0_lowered;
	s3 =	sadd.s32 s3, s5;
	[dreg:$0x0] =	wrdreg $0x0  }
0xa8: {  	s5 =	sshll.u32 s28, $0x1;
	[dreg:$0x2] =	wrdreg s3  }
0xa9: {  	[dreg:$0x3] =	wrdreg s5  }
0xaa: {  	[dreg:$0x4] =	wrdreg $0xC0  }
0xab: {  	_ =	task [dreg:s7], $0x5FFFF  }
0xac: {  	[dreg:$0x1] =	wrdreg $0xFFFFFFFF  }
0xad: {  	[dreg:$0x0] =	wrdreg $0x60  }
0xae: {  	[dreg:$0x2] =	wrdreg s24  }
0xaf: {  	[dreg:$0x3] =	wrdreg s2  }
0xb0: {  	[dreg:$0x4] =	wrdreg $0x9  }
0xb1: {  	_ =	task.clear_ibuf [dreg:s7], $0x5FFFF;
	_ =	strace $0x90000049  }
0xb2: {  	s29 =	simm.s32 $0x9;
	_ =	strace $0x8000004B  }
0xb3: {  	_ =	swait.ge [sflag:s29], $0x1  }
0xb4: {  	[sflag:s29] =	ssyncadd.s32 $0xFFFFFFFF  }
0xb5: {  	_ =	strace $0x9000004B  }
0xb6: {  	_ =	sfence  }
0xb7: {  	s30 =	sld [smem:$0x0];
	_ =	sdelay $0x2  }
0xb8: {  	s31 =	sshll.u32 s1, $0xD;
	s1 =	sshrl.u32 s1, $0x2  }
0xb9: {  	s3 =	sand.u32 $0x4000, s31;
	s1 =	sadd.s32 s1, s30  }
0xba: {  	s0 =	sor.u32 s3, s0;
	s1 =	sshll.u32 s1, $0x11  }
0xbb: {  	s0 =	sor.u32 s1, s0  }
0xbc: {  	s0 =	sadd.s32 $0x8F2B, s0  }
0xbd: {  	[sflag:s0] =	ssyncadd.remote.s32 $0x1  }
0xbe: {  	_ =	sfence.sel $0xFFFF  }
0xbf: {  	[dreg:$0x0] =	wrdreg $0xFFFFFFFF;
	(pc) =	sbr.abs _section_cstart, $3  }
0xc0: {  	[dreg:$0x1] =	wrdreg $0xFFFFFFFF  }
0xc1: {  	_ =	task.clear_ibuf [dreg:s7], $0x2FFFF;
	_ =	strace $0x9FFFFFFF  }
0xc2: {  	(tm) =	ssettm $0x7FFFFFFF  }
0xc3: {  	_ =	shalt  }
tec
execute0_lowered:
.L_overlay_start_1:
0x0: {  	(tag) =	ssettag $0x1  }
0x1: {  	s1 =	srdreg.scid  }
0x2: {  	s0 =	stileid.u32;
	s6 =	rddreg [dreg:$0x0]  }
0x3: {  	s4 =	rddreg [dreg:$0x1];
	s18 =	simm.s32 $0x880;
	s19 =	simm.s32 $0x1080  }
0x4: {  	s20 =	simm.s32 $0x1880;
	s22 =	simm.s32 $0x2080;
	s23 =	simm.s32 $0x2880  }
0x5: {  	s7 =	simm.s32 $0x3080;
	s24 =	simm.s32 $0x3880;
	s8 =	simm.s32 $0x4080  }
0x6: {  	s25 =	simm.s32 $0x4880;
	s26 =	simm.s32 $0x5080;
	s1 =	sand.u32 $0x1, s1  }
0x7: {  	s9 =	simm.s32 $0x80;
	s2 =	sshll.u32 s0, $0x7;
	s3 =	sshll.u32 s1, $0x6  }
0x8: {  	s11 =	simm.s32 $0x6080;
	s3 =	sor.u32 s3, s2;
	s2 =	simm.s32 $0x0  }
0x9: {  	s12 =	simm.s32 $0x6880;
	s13 =	simm.s32 $0x7080;
	[smem:$0x7FF] =	sst s2  }
0xa: {  	s14 =	simm.s32 $0x7880;
	_ =	strace $0x8000004A;
	[dreg:$0x5] =	wrdreg s18  }
0xb: {  	s15 =	simm.s32 $0x8080;
	s16 =	simm.s32 $0x8880;
	[dreg:$0x6] =	wrdreg s19  }
0xc: {  	s17 =	simm.s32 $0x9080;
	s28 =	simm.s32 $0xE080;
	[dreg:$0x7] =	wrdreg s20  }
0xd: {  	s29 =	simm.s32 $0xE880;
	s30 =	simm.s32 $0xF080;
	[dreg:$0x8] =	wrdreg s22  }
0xe: {  	s31 =	simm.s32 $0xF880;
	s1 =	ssub.s32 $0x2, s1;
	[dreg:$0x9] =	wrdreg s23  }
0xf: {  	s21 =	sshrl.u32 s1, $0x1;
	s5 =	sshrl.u32 s3, $0x3;
	[dreg:$0xa] =	wrdreg s7  }
0x10: {  	s3 =	sshll.u32 s3, $0x7;
	s1 =	ssub.s32 s1, s21;
	[dreg:$0xb] =	wrdreg s24  }
0x11: {  	s21 =	simm.s32 $0xB080;
	s5 =	sadd.s32 s5, s6;
	[dreg:$0xc] =	wrdreg s8  }
0x12: {  	s3 =	sadd.s32 s4, s3;
	s4 =	sadd.s32 $0x2700, s6;
	[dreg:$0xd] =	wrdreg s25  }
0x13: {  	s7 =	smax.u32 s1, $0x1;
	s8 =	simm.s32 $0x2;
	[dreg:$0xe] =	wrdreg s26  }
0x14: {  	s18 =	simm.s32 $0x9880;
	s19 =	simm.s32 $0xA080;
	s20 =	simm.s32 $0xA880  }
0x15: {  	s22 =	simm.s32 $0xB880;
	s23 =	simm.s32 $0xC080;
	s24 =	simm.s32 $0xC880  }
0x16: {  	v2 =	vlaneseq.u32;
	s25 =	simm.s32 $0xD080;
	s26 =	simm.s32 $0xD880;
	s1 =	simm.s32 $0x1  }
0x17: {  	vm0 =	vmmov $0xffff;
	v1 =	vshrl.u32 v2, $0x3;
	s5 =	sadd.s32 $0x2400, s5;
	[dreg:$0x4] =	wrdreg s3;
	s3 =	sadd.s32 $0x2600, s6  }
0x18: {  	v0 =	vand.u32 $0x7, v2;
	v2 =	vor.u32 $0x8, v2;
	v1 =	vmul.u32 $0x8, v1;
	[dreg:$0x3] =	wrdreg s5;
	s5 =	sadd.s32 $0x2800, s6;
	s6 =	sadd.s32 $0x2900, s6  }
.LBB2_1:
0x19: {  	s0 =	rddreg [dreg:$0x3]  }
0x1a: {  	[tilespmem:s2], [sflag:$0x2] =	stream.linear.gather [hbm4b:s0+s2], $0x40, $0x38;
	[tilespmem:$0x10080] =	vst v63  }
0x1b: {  	_ =	swait.ge [sflag:s8], $0x40  }
0x1c: {  	[sflag:s8] =	ssyncset.done $0x0  }
0x1d: {  	[sflag:s8] =	ssyncadd.s32 $0xFFFFFFC0  }
0x1e: {  	v3 =	vld [tilespmem:$0x0];
	_ =	sdelay $0x4  }
0x1f: {  	v4 =	vshll.u32 v3, $0x3  }
0x20: {  	v3 =	vand.u32 $0x7, v3;
	v4 =	vand.u32 $0xFFFFFFC0, v4  }
0x21: {  	v3 =	vor.u32 v3, v4  }
0x22: {  	v4 =	vperm.xlane v3, v0;
	_ =	sdelay $0x1  }
0x23: {  	v4 =	vadd.s32 v1, v4;
	_ =	sdelay $0x4  }
0x24: {  	[tilespmem:s9], [sflag:$0x1] =	stream.indirect_vreg.gather [hbm4b:s3+s2], $0x80, v4, vm0, $0xb8;
	[tilespmem:$0x10080] =	vst v63  }
0x25: {  	s0 =	rddreg [dreg:$0x5];
	v3 =	vperm.xlane v3, v2  }
0x26: {  	[tilespmem:s0], [sflag:$0x1] =	stream.indirect_vreg.gather [hbm4b:s4+s2], $0x80, v4, vm0, $0xb8;
	[tilespmem:$0x10080] =	vst v63  }
0x27: {  	s10 =	rddreg [dreg:$0x6];
	v3 =	vadd.s32 v1, v3  }
0x28: {  	[tilespmem:s10], [sflag:$0x1] =	stream.indirect_vreg.gather [hbm4b:s5+s2], $0x80, v4, vm0, $0xb8;
	[tilespmem:$0x10080] =	vst v63  }
0x29: {  	s0 =	rddreg [dreg:$0x7]  }
0x2a: {  	[tilespmem:s0], [sflag:$0x1] =	stream.indirect_vreg.gather [hbm4b:s6+s2], $0x80, v4, vm0, $0xb8;
	[tilespmem:$0x10080] =	vst v63  }
0x2b: {  	s10 =	rddreg [dreg:$0x8]  }
0x2c: {  	[tilespmem:s10], [sflag:$0x1] =	stream.indirect_vreg.gather [hbm4b:s3+s2], $0x80, v3, vm0, $0xb8;
	[tilespmem:$0x10080] =	vst v63  }
0x2d: {  	s0 =	rddreg [dreg:$0x9]  }
0x2e: {  	[tilespmem:s0], [sflag:$0x1] =	stream.indirect_vreg.gather [hbm4b:s4+s2], $0x80, v3, vm0, $0xb8;
	[tilespmem:$0x10080] =	vst v63  }
0x2f: {  	s10 =	rddreg [dreg:$0xa]  }
0x30: {  	[tilespmem:s10], [sflag:$0x1] =	stream.indirect_vreg.gather [hbm4b:s5+s2], $0x80, v3, vm0, $0xb8;
	[tilespmem:$0x10080] =	vst v63  }
0x31: {  	s0 =	rddreg [dreg:$0xb]  }
0x32: {  	[tilespmem:s0], [sflag:$0x1] =	stream.indirect_vreg.gather [hbm4b:s6+s2], $0x80, v3, vm0, $0xb8;
	[tilespmem:$0x10080] =	vst v63  }
0x33: {  	v3 =	vld [tilespmem:$0x10];
	_ =	sdelay $0x4  }
0x34: {  	v61 =	vshll.u32 v3, $0x3  }
0x35: {  	v3 =	vand.u32 $0x7, v3;
	v4 =	vand.u32 $0xFFFFFFC0, v61  }
0x36: {  	v3 =	vor.u32 v3, v4  }
0x37: {  	v4 =	vperm.xlane v3, v0;
	_ =	sdelay $0x1  }
0x38: {  	v4 =	vadd.s32 v1, v4;
	_ =	sdelay $0x3  }
0x39: {  	s0 =	rddreg [dreg:$0xc]  }
0x3a: {  	[tilespmem:s0], [sflag:$0x1] =	stream.indirect_vreg.gather [hbm4b:s3+s2], $0x80, v4, vm0, $0xb8;
	[tilespmem:$0x10080] =	vst v63  }
0x3b: {  	s10 =	rddreg [dreg:$0xd];
	v3 =	vperm.xlane v3, v2  }
0x3c: {  	[tilespmem:s10], [sflag:$0x1] =	stream.indirect_vreg.gather [hbm4b:s4+s2], $0x80, v4, vm0, $0xb8;
	[tilespmem:$0x10080] =	vst v63  }
0x3d: {  	v3 =	vadd.s32 v1, v3;
	s0 =	rddreg [dreg:$0xe]  }
0x3e: {  	[tilespmem:s0], [sflag:$0x1] =	stream.indirect_vreg.gather [hbm4b:s5+s2], $0x80, v4, vm0, $0xb8;
	[tilespmem:$0x10080] =	vst v63  }
0x3f: {  	s10 =	simm.s32 $0x5880  }
0x40: {  	[tilespmem:s10], [sflag:$0x1] =	stream.indirect_vreg.gather [hbm4b:s6+s2], $0x80, v4, vm0, $0xb8;
	[tilespmem:$0x10080] =	vst v63  }
0x41: {  	_ = 	snop  }
0x42: {  	[tilespmem:s11], [sflag:$0x1] =	stream.indirect_vreg.gather [hbm4b:s3+s2], $0x80, v3, vm0, $0xb8;
	[tilespmem:$0x10080] =	vst v63  }
0x43: {  	_ = 	snop  }
0x44: {  	[tilespmem:s12], [sflag:$0x1] =	stream.indirect_vreg.gather [hbm4b:s4+s2], $0x80, v3, vm0, $0xb8;
	[tilespmem:$0x10080] =	vst v63  }
0x45: {  	_ = 	snop  }
0x46: {  	[tilespmem:s13], [sflag:$0x1] =	stream.indirect_vreg.gather [hbm4b:s5+s2], $0x80, v3, vm0, $0xb8;
	[tilespmem:$0x10080] =	vst v63  }
0x47: {  	_ = 	snop  }
0x48: {  	[tilespmem:s14], [sflag:$0x1] =	stream.indirect_vreg.gather [hbm4b:s6+s2], $0x80, v3, vm0, $0xb8;
	[tilespmem:$0x10080] =	vst v63  }
0x49: {  	v3 =	vld [tilespmem:$0x20];
	_ =	sdelay $0x4  }
0x4a: {  	v62 =	vshll.u32 v3, $0x3  }
0x4b: {  	v3 =	vand.u32 $0x7, v3;
	v4 =	vand.u32 $0xFFFFFFC0, v62  }
0x4c: {  	v3 =	vor.u32 v3, v4  }
0x4d: {  	v4 =	vperm.xlane v3, v0;
	_ =	sdelay $0x1  }
0x4e: {  	v4 =	vadd.s32 v1, v4;
	_ =	sdelay $0x4  }
0x4f: {  	[tilespmem:s15], [sflag:$0x1] =	stream.indirect_vreg.gather [hbm4b:s3+s2], $0x80, v4, vm0, $0xb8;
	[tilespmem:$0x10080] =	vst v63  }
0x50: {  	v3 =	vperm.xlane v3, v2  }
0x51: {  	[tilespmem:s16], [sflag:$0x1] =	stream.indirect_vreg.gather [hbm4b:s4+s2], $0x80, v4, vm0, $0xb8;
	[tilespmem:$0x10080] =	vst v63  }
0x52: {  	v3 =	vadd.s32 v1, v3  }
0x53: {  	[tilespmem:s17], [sflag:$0x1] =	stream.indirect_vreg.gather [hbm4b:s5+s2], $0x80, v4, vm0, $0xb8;
	[tilespmem:$0x10080] =	vst v63  }
0x54: {  	_ = 	snop  }
0x55: {  	[tilespmem:s18], [sflag:$0x1] =	stream.indirect_vreg.gather [hbm4b:s6+s2], $0x80, v4, vm0, $0xb8;
	[tilespmem:$0x10080] =	vst v63  }
0x56: {  	_ = 	snop  }
0x57: {  	[tilespmem:s19], [sflag:$0x1] =	stream.indirect_vreg.gather [hbm4b:s3+s2], $0x80, v3, vm0, $0xb8;
	[tilespmem:$0x10080] =	vst v63  }
0x58: {  	_ = 	snop  }
0x59: {  	[tilespmem:s20], [sflag:$0x1] =	stream.indirect_vreg.gather [hbm4b:s4+s2], $0x80, v3, vm0, $0xb8;
	[tilespmem:$0x10080] =	vst v63  }
0x5a: {  	_ = 	snop  }
0x5b: {  	[tilespmem:s21], [sflag:$0x1] =	stream.indirect_vreg.gather [hbm4b:s5+s2], $0x80, v3, vm0, $0xb8;
	[tilespmem:$0x10080] =	vst v63  }
0x5c: {  	_ = 	snop  }
0x5d: {  	[tilespmem:s22], [sflag:$0x1] =	stream.indirect_vreg.gather [hbm4b:s6+s2], $0x80, v3, vm0, $0xb8;
	[tilespmem:$0x10080] =	vst v63  }
0x5e: {  	v3 =	vld [tilespmem:$0x30];
	_ =	sdelay $0x4  }
0x5f: {  	v63 =	vshll.u32 v3, $0x3  }
0x60: {  	v3 =	vand.u32 $0x7, v3;
	v4 =	vand.u32 $0xFFFFFFC0, v63  }
0x61: {  	v3 =	vor.u32 v3, v4  }
0x62: {  	v4 =	vperm.xlane v3, v0;
	_ =	sdelay $0x1  }
0x63: {  	v4 =	vadd.s32 v1, v4;
	_ =	sdelay $0x4  }
0x64: {  	[tilespmem:s23], [sflag:$0x1] =	stream.indirect_vreg.gather [hbm4b:s3+s2], $0x80, v4, vm0, $0xb8;
	[tilespmem:$0x10080] =	vst v63  }
0x65: {  	v3 =	vperm.xlane v3, v2  }
0x66: {  	[tilespmem:s24], [sflag:$0x1] =	stream.indirect_vreg.gather [hbm4b:s4+s2], $0x80, v4, vm0, $0xb8;
	[tilespmem:$0x10080] =	vst v63  }
0x67: {  	v3 =	vadd.s32 v1, v3  }
0x68: {  	[tilespmem:s25], [sflag:$0x1] =	stream.indirect_vreg.gather [hbm4b:s5+s2], $0x80, v4, vm0, $0xb8;
	[tilespmem:$0x10080] =	vst v63  }
0x69: {  	_ = 	snop  }
0x6a: {  	[tilespmem:s26], [sflag:$0x1] =	stream.indirect_vreg.gather [hbm4b:s6+s2], $0x80, v4, vm0, $0xb8;
	[tilespmem:$0x10080] =	vst v63  }
0x6b: {  	_ = 	snop  }
0x6c: {  	[tilespmem:s28], [sflag:$0x1] =	stream.indirect_vreg.gather [hbm4b:s3+s2], $0x80, v3, vm0, $0xb8;
	[tilespmem:$0x10080] =	vst v63  }
0x6d: {  	_ = 	snop  }
0x6e: {  	[tilespmem:s29], [sflag:$0x1] =	stream.indirect_vreg.gather [hbm4b:s4+s2], $0x80, v3, vm0, $0xb8;
	[tilespmem:$0x10080] =	vst v63  }
0x6f: {  	_ = 	snop  }
0x70: {  	[tilespmem:s30], [sflag:$0x1] =	stream.indirect_vreg.gather [hbm4b:s5+s2], $0x80, v3, vm0, $0xb8;
	[tilespmem:$0x10080] =	vst v63  }
0x71: {  	_ = 	snop  }
0x72: {  	[tilespmem:s31], [sflag:$0x1] =	stream.indirect_vreg.gather [hbm4b:s6+s2], $0x80, v3, vm0, $0xb8;
	[tilespmem:$0x10080] =	vst v63  }
0x73: {  	_ =	swait.ge [sflag:s1], $0x10000  }
0x74: {  	p0 =	sne.s32 s7, $0x1;
	[sflag:s1] =	ssyncset.done $0x0  }
.Ltmp0:
0x75: {  	s10 =	rddreg [dreg:$0x4];
	[sflag:s1] =	ssyncadd.s32 $0xFFFF0000;
	(pc) =	sbr.rel @p0 .LBB2_1-.Ltmp0, $4  }
0x76: {  	[hbm4b:s10+s2] =	stream.linear.scatter [tilespmem:s9], [sflag:$0x2], $0x10000, $0x38;
	[tilespmem:$0x10080] =	vst v63  }
0x77: {  	_ =	swait.ge [sflag:s8], $0x10000  }
0x78: {  	[sflag:s8] =	ssyncset.done $0x0  }
0x79: {  	s7 =	sadd.s32 $0xFFFFFFFF, s7;
	[sflag:s8] =	ssyncadd.s32 $0xFFFF0000  }
0x7a: {  	_ =	sfence.sel $0x180000  }
0x7b: {  	[bflag:$0x0] =	sbarrier.arrive $0xFFFF  }
0x7c: {  	_ =	strace $0x9000004A  }
0x7d: {  	s0 =	stileid.u32;
	[bflag:$0x2] =	sbarrier.arrive $0xFFFF  }
0x7e: {  	p0 =	sne.s32 s0, $0x0;
	s0 =	rddreg [dreg:$0x2]  }
0x7f: {  	s0 =	sadd.s32 @!p0 $0x100000, s0  }
0x80: {  	[sflag:s0] =	ssyncadd.tile.s32 @!p0 $0x1;
	_ =	shalt  }
.Lfunc_end2:
_tile_overlayer_lowered:
.L_overlay_start_2:
0x81: {  	(tag) =	ssettag $0x2  }
0x82: {  	s0 =	rddreg [dreg:$0x0];
	s2 =	stileid.u32  }
0x83: {  	s1 =	rddreg [dreg:$0x1];
	p0 =	sne.s32 s2, $0x0  }
0x84: {  	s3 =	rddreg [dreg:$0x2];
	[bflag:$0x3] =	sbarrier.arrive $0xFFFF;
	s2 =	simm.s32 @!p0 $0x1C02  }
0x85: {  	[timem:s3], [sflag:s2] =	dma.local @!p0 [hbm:s0], s1  }
0x86: {  	s0 =	simm.s32 @!p0 $0x2  }
0x87: {  	_ =	swait.ge @!p0 [sflag:s0], s1  }
0x88: {  	s1 =	ssub.s32 @!p0 $0x0, s1;
	[sflag:s0] =	ssyncset.done @!p0 $0x0  }
0x89: {  	[sflag:s0] =	ssyncadd.s32 @!p0 s1  }
0x8a: {  	[bflag:$0x3] =	sbarrier.arrive $0xFFFF  }
0x8b: {  	_ =	shalt  }

</sc_bundles>
